<compile_context>
chip_gen: v7x
topology: tpu7x:2x2x1
jax: 0.10.2.dev20260603
libtpu: 0.0.44.dev20260713+nightly
codegen_flags: <defaults>
</compile_context>

<pallas_src>
import jax
import jax.numpy as jnp
from jax import lax
from jax.experimental import pallas as pl
from jax.experimental.pallas import tpu as pltpu
from jax.experimental.pallas import tpu_sc as plsc

_NC = 2
_NS = 16
_NW = _NC * _NS

_B = 16384
_P = 20
_N = 50
_NJ = _P + _N
_D = 64
_CB = 4
_VCH = _CB * _NJ
_POS0 = 0
_NEG0 = _CB * _P
_BW = _B // _NW
_NCHUNK = _BW // _CB
_UIDX_W = 128
_NUIDX = _BW // _UIDX_W


def _sc_body(uidx_hbm, posv_hbm, negv_hbm, w_hbm, out_hbm,
             uidx_v, pidx, nidx, ubuf, vbuf0, vbuf1, sbuf0, sbuf1,
             usem, gsem0, gsem1, ssem0, ssem1):
    cid = lax.axis_index("c")
    sid = lax.axis_index("s")
    wid = sid * _NC + cid
    lane = lax.iota(jnp.int32, 16)
    last = lane == 15

    def fetch(c, vbuf, gsem):
        for r in range(_CB):
            pltpu.async_copy(
                w_hbm.at[pidx.at[c * _CB + r]],
                vbuf.at[pl.ds(_POS0 + r * _P, _P)], gsem)
        for r in range(_CB):
            pltpu.async_copy(
                w_hbm.at[nidx.at[c * _CB + r]],
                vbuf.at[pl.ds(_NEG0 + r * _N, _N)], gsem)

    def drain_gather(vbuf, gsem):
        pltpu.make_async_copy(
            w_hbm.at[pl.ds(0, _VCH)], vbuf, gsem).wait()

    def drain_scores(sbuf, ssem):
        pltpu.make_async_copy(
            sbuf, out_hbm.at[pl.ds(0, _VCH)], ssem).wait()

    def compute(c, vbuf, sbuf):

        def b_body(b, carry2):
            lb = c * _CB + b
            us = [ubuf[lb, pl.ds(16 * k, 16)] for k in range(4)]

            def dot_store(vrow, p):
                t = us[0] * vbuf[vrow, pl.ds(0, 16)]
                t = t + us[1] * vbuf[vrow, pl.ds(16, 16)]
                t = t + us[2] * vbuf[vrow, pl.ds(32, 16)]
                t = t + us[3] * vbuf[vrow, pl.ds(48, 16)]
                cs = plsc.cumsum(t)
                idx = jnp.broadcast_to(p, (16,)).astype(jnp.int32)
                plsc.store_scatter(sbuf, [idx], cs, mask=last)

            @plsc.parallel_loop(0, _P, unroll=5)
            def _(j):
                dot_store(_POS0 + b * _P + j, b * _NJ + j)

            @plsc.parallel_loop(0, _N, unroll=5)
            def _(j):
                dot_store(_NEG0 + b * _N + j, b * _NJ + _P + j)

            return carry2

        lax.fori_loop(0, _CB, b_body, 0)

    row0 = wid * _BW
    pltpu.sync_copy(uidx_hbm.at[pl.ds(wid * _NUIDX, _NUIDX)], uidx_v)
    pltpu.async_copy(posv_hbm.at[pl.ds(row0, _BW)], pidx, usem)
    pltpu.async_copy(negv_hbm.at[pl.ds(row0, _BW)], nidx, usem)
    for k in range(_NUIDX):
        pltpu.async_copy(
            w_hbm.at[uidx_v.at[k]],
            ubuf.at[pl.ds(k * _UIDX_W, _UIDX_W)], usem)
    pltpu.make_async_copy(posv_hbm.at[pl.ds(0, _BW)], pidx, usem).wait()
    pltpu.make_async_copy(negv_hbm.at[pl.ds(0, _BW)], nidx, usem).wait()
    pltpu.make_async_copy(w_hbm.at[pl.ds(0, _BW)], ubuf, usem).wait()
    fetch(0, vbuf0, gsem0)
    g0 = wid * _NCHUNK

    def pair_body(i, carry):
        ca = 2 * i
        cb = 2 * i + 1
        fetch(cb, vbuf1, gsem1)
        drain_gather(vbuf0, gsem0)

        @pl.when(i >= 1)
        def _():
            drain_scores(sbuf0, ssem0)

        compute(ca, vbuf0, sbuf0)
        pltpu.async_copy(sbuf0, out_hbm.at[pl.ds((g0 + ca) * _VCH, _VCH)],
                         ssem0)

        @pl.when(i < _NCHUNK // 2 - 1)
        def _():
            fetch(cb + 1, vbuf0, gsem0)

        drain_gather(vbuf1, gsem1)

        @pl.when(i >= 1)
        def _():
            drain_scores(sbuf1, ssem1)

        compute(cb, vbuf1, sbuf1)
        pltpu.async_copy(sbuf1, out_hbm.at[pl.ds((g0 + cb) * _VCH, _VCH)],
                         ssem1)
        return carry

    lax.fori_loop(0, _NCHUNK // 2, pair_body, 0)
    drain_scores(sbuf0, ssem0)
    drain_scores(sbuf1, ssem1)


def _sc_scores(u_idx, pos_v, neg_v, W):
    mesh = plsc.VectorSubcoreMesh(
        core_axis_name="c", subcore_axis_name="s",
        num_cores=_NC, num_subcores=_NS)
    return pl.kernel(
        _sc_body,
        out_type=jax.ShapeDtypeStruct((_B * _NJ,), jnp.float32),
        mesh=mesh,
        compiler_params=pltpu.CompilerParams(
            needs_layout_passes=False, use_tc_tiling_on_sc=False),
        scratch_types=[
            pltpu.VMEM((_NUIDX, _UIDX_W), jnp.int32),
            pltpu.VMEM((_BW, _P), jnp.int32),
            pltpu.VMEM((_BW, _N), jnp.int32),
            pltpu.VMEM((_BW, _D), jnp.float32),
            pltpu.VMEM((_VCH, _D), jnp.float32),
            pltpu.VMEM((_VCH, _D), jnp.float32),
            pltpu.VMEM((_VCH,), jnp.float32),
            pltpu.VMEM((_VCH,), jnp.float32),
            pltpu.SemaphoreType.DMA,
            pltpu.SemaphoreType.DMA,
            pltpu.SemaphoreType.DMA,
            pltpu.SemaphoreType.DMA,
            pltpu.SemaphoreType.DMA,
        ],
    )(u_idx, pos_v, neg_v, W)


_BR = 1120


def _tc_loss_body(x_ref, o_ref):
    i = pl.program_id(0)
    x = x_ref[...]
    rowi = lax.broadcasted_iota(jnp.int32, (_BR, 128), 0)
    coli = lax.broadcasted_iota(jnp.int32, (_BR, 128), 1)
    p = (i * _BR + rowi) * 128 + coli
    j = p % _NJ
    s = jnp.where(j < _P, x, -x)
    ls = jnp.minimum(s, 0.0) - jnp.log1p(jnp.exp(-jnp.abs(s)))
    part = jnp.sum(ls)

    @pl.when(i == 0)
    def _():
        o_ref[...] = jnp.zeros((1, 1), jnp.float32)

    o_ref[...] += part

    @pl.when(i == pl.num_programs(0) - 1)
    def _():
        o_ref[...] = -o_ref[...] / float(_B * _NJ)


def _tc_loss(scores2d):
    nrow = scores2d.shape[0]
    return pl.pallas_call(
        _tc_loss_body,
        grid=(nrow // _BR,),
        in_specs=[pl.BlockSpec((_BR, 128), lambda i: (i, 0))],
        out_specs=pl.BlockSpec((1, 1), lambda i: (0, 0)),
        out_shape=jax.ShapeDtypeStruct((1, 1), jnp.float32),
    )(scores2d)


def kernel(pos_u, pos_v, neg_v, W):
    u_idx = pos_u.reshape(_B // _UIDX_W, _UIDX_W).astype(jnp.int32)
    scores = _sc_scores(u_idx, pos_v.astype(jnp.int32),
                        neg_v.astype(jnp.int32), W)
    loss = _tc_loss(scores.reshape(_B * _NJ // 128, 128))
    return loss[0, 0]

# --- scband reference (transcript-rebuilt; emitter-appended) ---
"""Pipeline reference for scband-symmetric-embedding-37297495999233 (READ-ONLY COPY).

The authoritative reference and input builder live on the scoring server;
editing this copy changes nothing except your own understanding.
"""

import jax, jax.numpy as jnp
import numpy as np

VOCAB = 1000000
DIM = 64
B = 16384
P = 20
N = 50


def setup_inputs(seed: int = 0) -> dict:
    key = jax.random.key(seed)
    k1, k2, k3, k4 = jax.random.split(key, 4)
    pos_u = jax.random.randint(k1, (B, 1), 0, VOCAB, dtype=jnp.int64 if jax.config.jax_enable_x64 else jnp.int32)
    pos_v = jax.random.randint(k2, (B, P), 0, VOCAB, dtype=jnp.int64 if jax.config.jax_enable_x64 else jnp.int32)
    neg_v = jax.random.randint(k3, (B, N), 0, VOCAB, dtype=jnp.int64 if jax.config.jax_enable_x64 else jnp.int32)
    W = jax.random.normal(k4, (VOCAB, DIM), dtype=jnp.float32) * 0.02
    return {"pos_u": pos_u, "pos_v": pos_v, "neg_v": neg_v, "W": W}


def reference(pos_u, pos_v, neg_v, W):
    # u = embedding(pos_u): [B, 1, D]
    u = jnp.take(W, pos_u, axis=0)
    num_pos = pos_v.shape[1]
    num_neg = neg_v.shape[1]
    # pos_v embeddings: [B, P, D]
    pv = jnp.take(W, pos_v, axis=0)
    score = (u * pv).sum(axis=-1)          # [B, P]
    score = jax.nn.log_sigmoid(score)
    loss1 = score.sum(axis=-1)             # [B]
    # neg_v embeddings: [B, N, D]
    nv = jnp.take(W, neg_v, axis=0)
    neg_score = (u * nv).sum(axis=-1)      # [B, N]
    neg_score = jax.nn.log_sigmoid(-1.0 * neg_score)
    loss2 = neg_score.sum(axis=-1)         # [B]
    loss = ((loss1 + loss2) / (num_pos + num_neg)).mean()
    return -1.0 * loss

if __name__ == "__main__":
    import jax
    _d = setup_inputs()
    print(jax.jit(kernel)(*tuple(_d.values())))

</pallas_src>

<mosaic_0001>
#map = affine_map<(d0, d1) -> (0, 0)>
#map1 = affine_map<(d0, d1) -> (0)>
module attributes {stable_mosaic.version = 14 : i64} {
  func.func @_sc_body(%arg0: i32, %arg1: i32, %arg2: memref<128x128xi32, #tpu.memory_space<hbm>>, %arg3: memref<16384x20xi32, #tpu.memory_space<hbm>>, %arg4: memref<16384x50xi32, #tpu.memory_space<hbm>>, %arg5: memref<1000000x64xf32, #tpu.memory_space<hbm>>, %arg6: memref<1146880xf32, #tpu.memory_space<hbm>>, %arg7: memref<4x128xi32, #tpu.memory_space<vmem>>, %arg8: memref<512x20xi32, #tpu.memory_space<vmem>>, %arg9: memref<512x50xi32, #tpu.memory_space<vmem>>, %arg10: memref<512x64xf32, #tpu.memory_space<vmem>>, %arg11: memref<280x64xf32, #tpu.memory_space<vmem>>, %arg12: memref<280x64xf32, #tpu.memory_space<vmem>>, %arg13: memref<280xf32, #tpu.memory_space<vmem>>, %arg14: memref<280xf32, #tpu.memory_space<vmem>>, %arg15: memref<!tpu.dma_semaphore, #tpu.memory_space<semaphore_mem>>, %arg16: memref<!tpu.dma_semaphore, #tpu.memory_space<semaphore_mem>>, %arg17: memref<!tpu.dma_semaphore, #tpu.memory_space<semaphore_mem>>, %arg18: memref<!tpu.dma_semaphore, #tpu.memory_space<semaphore_mem>>, %arg19: memref<!tpu.dma_semaphore, #tpu.memory_space<semaphore_mem>>) attributes {dimension_semantics = [#tpu.dimension_semantics<core_parallel>, #tpu.dimension_semantics<subcore_parallel>], iteration_bounds = array<i64: 2, 16>, scalar_prefetch = 0 : i64, scratch_operands = 13 : i64, tpu.core_type = #tpu.core_type<sc_vector_subcore>, window_params = [{transform_indices = #map}, {transform_indices = #map}, {transform_indices = #map}, {transform_indices = #map}, {transform_indices = #map1}]} {
    %mul3A = arith.constant 2 : i32
    %mul3A_0 = arith.muli %arg1, %mul3A : i32
    %add3A = arith.addi %mul3A_0, %arg0 : i32
    %iota3A = tpu.iota {dimensions = array<i32: 0>} : vector<16xi32>
    %eq3A = arith.constant 15 : i32
    %eq3A_1 = vector.broadcast %eq3A : i32 to vector<16xi32>
    %eq3A_2 = arith.cmpi eq, %iota3A, %eq3A_1 : vector<16xi32>
    %mul3A_3 = arith.constant 512 : i32
    %mul3A_4 = arith.muli %add3A, %mul3A_3 : i32
    %mul3A_5 = arith.constant 4 : i32
    %mul3A_6 = arith.muli %add3A, %mul3A_5 : i32
    "tpu.region"() ({
      %run_scoped3A = tpu.sem_alloc : memref<!tpu.dma_semaphore, #tpu.memory_space<semaphore_mem>>
      %dma_start3A_166 = arith.constant 0 : i32
      %dma_start3A_167 = tpu.memref_slice %arg2[%mul3A_6, %dma_start3A_166] : memref<128x128xi32, #tpu.memory_space<hbm>> -> memref<4x128xi32, #tpu.memory_space<hbm>>
      %dma_start3A_168 = arith.constant 0 : i32
      %dma_start3A_169 = tpu.memref_slice %arg2[%mul3A_6, %dma_start3A_168] : memref<128x128xi32, #tpu.memory_space<hbm>> -> memref<4x128xi32, #tpu.memory_space<hbm>>
      tpu.enqueue_dma source(%dma_start3A_169 : memref<4x128xi32, #tpu.memory_space<hbm>>) target(%arg7 : memref<4x128xi32, #tpu.memory_space<vmem>>) target_semaphore(%run_scoped3A : memref<!tpu.dma_semaphore, #tpu.memory_space<semaphore_mem>>)
      %dma_wait3A_170 = arith.constant 0 : i32
      %dma_wait3A_171 = tpu.memref_slice %arg2[%mul3A_6, %dma_wait3A_170] : memref<128x128xi32, #tpu.memory_space<hbm>> -> memref<4x128xi32, #tpu.memory_space<hbm>>
      %dma_wait3A_172 = arith.constant 0 : i32
      %dma_wait3A_173 = tpu.memref_slice %arg2[%mul3A_6, %dma_wait3A_172] : memref<128x128xi32, #tpu.memory_space<hbm>> -> memref<4x128xi32, #tpu.memory_space<hbm>>
      tpu.wait_dma2 semaphore(%run_scoped3A : memref<!tpu.dma_semaphore, #tpu.memory_space<semaphore_mem>>) src(%dma_wait3A_173 : memref<4x128xi32, #tpu.memory_space<hbm>>) dst(%arg7 : memref<4x128xi32, #tpu.memory_space<vmem>>)
      tpu.yield
    }) : () -> ()
    %dma_start3A = arith.constant 0 : i32
    %dma_start3A_7 = tpu.memref_slice %arg3[%mul3A_4, %dma_start3A] : memref<16384x20xi32, #tpu.memory_space<hbm>> -> memref<512x20xi32, #tpu.memory_space<hbm>>
    %dma_start3A_8 = arith.constant 0 : i32
    %dma_start3A_9 = tpu.memref_slice %arg3[%mul3A_4, %dma_start3A_8] : memref<16384x20xi32, #tpu.memory_space<hbm>> -> memref<512x20xi32, #tpu.memory_space<hbm>>
    tpu.enqueue_dma source(%dma_start3A_9 : memref<512x20xi32, #tpu.memory_space<hbm>>) target(%arg8 : memref<512x20xi32, #tpu.memory_space<vmem>>) target_semaphore(%arg15 : memref<!tpu.dma_semaphore, #tpu.memory_space<semaphore_mem>>)
    %dma_start3A_10 = arith.constant 0 : i32
    %dma_start3A_11 = tpu.memref_slice %arg4[%mul3A_4, %dma_start3A_10] : memref<16384x50xi32, #tpu.memory_space<hbm>> -> memref<512x50xi32, #tpu.memory_space<hbm>>
    %dma_start3A_12 = arith.constant 0 : i32
    %dma_start3A_13 = tpu.memref_slice %arg4[%mul3A_4, %dma_start3A_12] : memref<16384x50xi32, #tpu.memory_space<hbm>> -> memref<512x50xi32, #tpu.memory_space<hbm>>
    tpu.enqueue_dma source(%dma_start3A_13 : memref<512x50xi32, #tpu.memory_space<hbm>>) target(%arg9 : memref<512x50xi32, #tpu.memory_space<vmem>>) target_semaphore(%arg15 : memref<!tpu.dma_semaphore, #tpu.memory_space<semaphore_mem>>)
    %dma_start3A_14 = arith.constant 0 : i32
    %dma_start3A_15 = arith.constant 0 : i32
    %dma_start3A_16 = arith.constant 0 : i32
    %dma_start3A_17 = tpu.memref_slice %arg10[%dma_start3A_15, %dma_start3A_16] : memref<512x64xf32, #tpu.memory_space<vmem>> -> memref<128x64xf32, #tpu.memory_space<vmem>>
    %dma_start3A_18 = arith.constant 0 : i32
    %dma_start3A_19 = tpu.memref_slice %arg7[%dma_start3A_14, %dma_start3A_18] : memref<4x128xi32, #tpu.memory_space<vmem>> -> memref<1x128xi32, #tpu.memory_space<vmem>>
    %dma_start3A_20 = tpu.memref_squeeze %dma_start3A_19 : memref<1x128xi32, #tpu.memory_space<vmem>> -> memref<128xi32, #tpu.memory_space<vmem>>
    %dma_start3A_21 = arith.constant 0 : i32
    %dma_start3A_22 = arith.constant 0 : i32
    %dma_start3A_23 = tpu.memref_slice %arg5[%dma_start3A_21, %dma_start3A_22] : memref<1000000x64xf32, #tpu.memory_space<hbm>> -> memref<1000000x64xf32, #tpu.memory_space<hbm>>
    tpu.enqueue_indirect_dma source(%dma_start3A_23 : memref<1000000x64xf32, #tpu.memory_space<hbm>>) target(%dma_start3A_17 : memref<128x64xf32, #tpu.memory_space<vmem>>) offsets(%dma_start3A_20 : memref<128xi32, #tpu.memory_space<vmem>>) semaphore(%arg15 : memref<!tpu.dma_semaphore, #tpu.memory_space<semaphore_mem>>)
    %dma_start3A_24 = arith.constant 1 : i32
    %dma_start3A_25 = arith.constant 128 : i32
    %dma_start3A_26 = arith.constant 0 : i32
    %dma_start3A_27 = tpu.memref_slice %arg10[%dma_start3A_25, %dma_start3A_26] : memref<512x64xf32, #tpu.memory_space<vmem>> -> memref<128x64xf32, #tpu.memory_space<vmem>>
    %dma_start3A_28 = arith.constant 0 : i32
    %dma_start3A_29 = tpu.memref_slice %arg7[%dma_start3A_24, %dma_start3A_28] : memref<4x128xi32, #tpu.memory_space<vmem>> -> memref<1x128xi32, #tpu.memory_space<vmem>>
    %dma_start3A_30 = tpu.memref_squeeze %dma_start3A_29 : memref<1x128xi32, #tpu.memory_space<vmem>> -> memref<128xi32, #tpu.memory_space<vmem>>
    %dma_start3A_31 = arith.constant 0 : i32
    %dma_start3A_32 = arith.constant 0 : i32
    %dma_start3A_33 = tpu.memref_slice %arg5[%dma_start3A_31, %dma_start3A_32] : memref<1000000x64xf32, #tpu.memory_space<hbm>> -> memref<1000000x64xf32, #tpu.memory_space<hbm>>
    tpu.enqueue_indirect_dma source(%dma_start3A_33 : memref<1000000x64xf32, #tpu.memory_space<hbm>>) target(%dma_start3A_27 : memref<128x64xf32, #tpu.memory_space<vmem>>) offsets(%dma_start3A_30 : memref<128xi32, #tpu.memory_space<vmem>>) semaphore(%arg15 : memref<!tpu.dma_semaphore, #tpu.memory_space<semaphore_mem>>)
    %dma_start3A_34 = arith.constant 2 : i32
    %dma_start3A_35 = arith.constant 256 : i32
    %dma_start3A_36 = arith.constant 0 : i32
    %dma_start3A_37 = tpu.memref_slice %arg10[%dma_start3A_35, %dma_start3A_36] : memref<512x64xf32, #tpu.memory_space<vmem>> -> memref<128x64xf32, #tpu.memory_space<vmem>>
    %dma_start3A_38 = arith.constant 0 : i32
    %dma_start3A_39 = tpu.memref_slice %arg7[%dma_start3A_34, %dma_start3A_38] : memref<4x128xi32, #tpu.memory_space<vmem>> -> memref<1x128xi32, #tpu.memory_space<vmem>>
    %dma_start3A_40 = tpu.memref_squeeze %dma_start3A_39 : memref<1x128xi32, #tpu.memory_space<vmem>> -> memref<128xi32, #tpu.memory_space<vmem>>
    %dma_start3A_41 = arith.constant 0 : i32
    %dma_start3A_42 = arith.constant 0 : i32
    %dma_start3A_43 = tpu.memref_slice %arg5[%dma_start3A_41, %dma_start3A_42] : memref<1000000x64xf32, #tpu.memory_space<hbm>> -> memref<1000000x64xf32, #tpu.memory_space<hbm>>
    tpu.enqueue_indirect_dma source(%dma_start3A_43 : memref<1000000x64xf32, #tpu.memory_space<hbm>>) target(%dma_start3A_37 : memref<128x64xf32, #tpu.memory_space<vmem>>) offsets(%dma_start3A_40 : memref<128xi32, #tpu.memory_space<vmem>>) semaphore(%arg15 : memref<!tpu.dma_semaphore, #tpu.memory_space<semaphore_mem>>)
    %dma_start3A_44 = arith.constant 3 : i32
    %dma_start3A_45 = arith.constant 384 : i32
    %dma_start3A_46 = arith.constant 0 : i32
    %dma_start3A_47 = tpu.memref_slice %arg10[%dma_start3A_45, %dma_start3A_46] : memref<512x64xf32, #tpu.memory_space<vmem>> -> memref<128x64xf32, #tpu.memory_space<vmem>>
    %dma_start3A_48 = arith.constant 0 : i32
    %dma_start3A_49 = tpu.memref_slice %arg7[%dma_start3A_44, %dma_start3A_48] : memref<4x128xi32, #tpu.memory_space<vmem>> -> memref<1x128xi32, #tpu.memory_space<vmem>>
    %dma_start3A_50 = tpu.memref_squeeze %dma_start3A_49 : memref<1x128xi32, #tpu.memory_space<vmem>> -> memref<128xi32, #tpu.memory_space<vmem>>
    %dma_start3A_51 = arith.constant 0 : i32
    %dma_start3A_52 = arith.constant 0 : i32
    %dma_start3A_53 = tpu.memref_slice %arg5[%dma_start3A_51, %dma_start3A_52] : memref<1000000x64xf32, #tpu.memory_space<hbm>> -> memref<1000000x64xf32, #tpu.memory_space<hbm>>
    tpu.enqueue_indirect_dma source(%dma_start3A_53 : memref<1000000x64xf32, #tpu.memory_space<hbm>>) target(%dma_start3A_47 : memref<128x64xf32, #tpu.memory_space<vmem>>) offsets(%dma_start3A_50 : memref<128xi32, #tpu.memory_space<vmem>>) semaphore(%arg15 : memref<!tpu.dma_semaphore, #tpu.memory_space<semaphore_mem>>)
    %dma_wait3A = arith.constant 0 : i32
    %dma_wait3A_54 = arith.constant 0 : i32
    %dma_wait3A_55 = tpu.memref_slice %arg3[%dma_wait3A, %dma_wait3A_54] : memref<16384x20xi32, #tpu.memory_space<hbm>> -> memref<512x20xi32, #tpu.memory_space<hbm>>
    %dma_wait3A_56 = arith.constant 0 : i32
    %dma_wait3A_57 = arith.constant 0 : i32
    %dma_wait3A_58 = tpu.memref_slice %arg3[%dma_wait3A_56, %dma_wait3A_57] : memref<16384x20xi32, #tpu.memory_space<hbm>> -> memref<512x20xi32, #tpu.memory_space<hbm>>
    tpu.wait_dma2 semaphore(%arg15 : memref<!tpu.dma_semaphore, #tpu.memory_space<semaphore_mem>>) src(%dma_wait3A_58 : memref<512x20xi32, #tpu.memory_space<hbm>>) dst(%arg8 : memref<512x20xi32, #tpu.memory_space<vmem>>)
    %dma_wait3A_59 = arith.constant 0 : i32
    %dma_wait3A_60 = arith.constant 0 : i32
    %dma_wait3A_61 = tpu.memref_slice %arg4[%dma_wait3A_59, %dma_wait3A_60] : memref<16384x50xi32, #tpu.memory_space<hbm>> -> memref<512x50xi32, #tpu.memory_space<hbm>>
    %dma_wait3A_62 = arith.constant 0 : i32
    %dma_wait3A_63 = arith.constant 0 : i32
    %dma_wait3A_64 = tpu.memref_slice %arg4[%dma_wait3A_62, %dma_wait3A_63] : memref<16384x50xi32, #tpu.memory_space<hbm>> -> memref<512x50xi32, #tpu.memory_space<hbm>>
    tpu.wait_dma2 semaphore(%arg15 : memref<!tpu.dma_semaphore, #tpu.memory_space<semaphore_mem>>) src(%dma_wait3A_64 : memref<512x50xi32, #tpu.memory_space<hbm>>) dst(%arg9 : memref<512x50xi32, #tpu.memory_space<vmem>>)
    %dma_wait3A_65 = arith.constant 0 : i32
    %dma_wait3A_66 = arith.constant 0 : i32
    %dma_wait3A_67 = tpu.memref_slice %arg5[%dma_wait3A_65, %dma_wait3A_66] : memref<1000000x64xf32, #tpu.memory_space<hbm>> -> memref<512x64xf32, #tpu.memory_space<hbm>>
    %dma_wait3A_68 = arith.constant 0 : i32
    %dma_wait3A_69 = arith.constant 0 : i32
    %dma_wait3A_70 = tpu.memref_slice %arg5[%dma_wait3A_68, %dma_wait3A_69] : memref<1000000x64xf32, #tpu.memory_space<hbm>> -> memref<512x64xf32, #tpu.memory_space<hbm>>
    tpu.wait_dma2 semaphore(%arg15 : memref<!tpu.dma_semaphore, #tpu.memory_space<semaphore_mem>>) src(%dma_wait3A_70 : memref<512x64xf32, #tpu.memory_space<hbm>>) dst(%arg10 : memref<512x64xf32, #tpu.memory_space<vmem>>)
    %dma_start3A_71 = arith.constant 0 : i32
    %dma_start3A_72 = arith.constant 0 : i32
    %dma_start3A_73 = arith.constant 0 : i32
    %dma_start3A_74 = tpu.memref_slice %arg11[%dma_start3A_72, %dma_start3A_73] : memref<280x64xf32, #tpu.memory_space<vmem>> -> memref<20x64xf32, #tpu.memory_space<vmem>>
    %dma_start3A_75 = arith.constant 0 : i32
    %dma_start3A_76 = tpu.memref_slice %arg8[%dma_start3A_71, %dma_start3A_75] : memref<512x20xi32, #tpu.memory_space<vmem>> -> memref<1x20xi32, #tpu.memory_space<vmem>>
    %dma_start3A_77 = tpu.memref_squeeze %dma_start3A_76 : memref<1x20xi32, #tpu.memory_space<vmem>> -> memref<20xi32, #tpu.memory_space<vmem>>
    %dma_start3A_78 = arith.constant 0 : i32
    %dma_start3A_79 = arith.constant 0 : i32
    %dma_start3A_80 = tpu.memref_slice %arg5[%dma_start3A_78, %dma_start3A_79] : memref<1000000x64xf32, #tpu.memory_space<hbm>> -> memref<1000000x64xf32, #tpu.memory_space<hbm>>
    tpu.enqueue_indirect_dma source(%dma_start3A_80 : memref<1000000x64xf32, #tpu.memory_space<hbm>>) target(%dma_start3A_74 : memref<20x64xf32, #tpu.memory_space<vmem>>) offsets(%dma_start3A_77 : memref<20xi32, #tpu.memory_space<vmem>>) semaphore(%arg16 : memref<!tpu.dma_semaphore, #tpu.memory_space<semaphore_mem>>)
    %dma_start3A_81 = arith.constant 1 : i32
    %dma_start3A_82 = arith.constant 20 : i32
    %dma_start3A_83 = arith.constant 0 : i32
    %dma_start3A_84 = tpu.memref_slice %arg11[%dma_start3A_82, %dma_start3A_83] : memref<280x64xf32, #tpu.memory_space<vmem>> -> memref<20x64xf32, #tpu.memory_space<vmem>>
    %dma_start3A_85 = arith.constant 0 : i32
    %dma_start3A_86 = tpu.memref_slice %arg8[%dma_start3A_81, %dma_start3A_85] : memref<512x20xi32, #tpu.memory_space<vmem>> -> memref<1x20xi32, #tpu.memory_space<vmem>>
    %dma_start3A_87 = tpu.memref_squeeze %dma_start3A_86 : memref<1x20xi32, #tpu.memory_space<vmem>> -> memref<20xi32, #tpu.memory_space<vmem>>
    %dma_start3A_88 = arith.constant 0 : i32
    %dma_start3A_89 = arith.constant 0 : i32
    %dma_start3A_90 = tpu.memref_slice %arg5[%dma_start3A_88, %dma_start3A_89] : memref<1000000x64xf32, #tpu.memory_space<hbm>> -> memref<1000000x64xf32, #tpu.memory_space<hbm>>
    tpu.enqueue_indirect_dma source(%dma_start3A_90 : memref<1000000x64xf32, #tpu.memory_space<hbm>>) target(%dma_start3A_84 : memref<20x64xf32, #tpu.memory_space<vmem>>) offsets(%dma_start3A_87 : memref<20xi32, #tpu.memory_space<vmem>>) semaphore(%arg16 : memref<!tpu.dma_semaphore, #tpu.memory_space<semaphore_mem>>)
    %dma_start3A_91 = arith.constant 2 : i32
    %dma_start3A_92 = arith.constant 40 : i32
    %dma_start3A_93 = arith.constant 0 : i32
    %dma_start3A_94 = tpu.memref_slice %arg11[%dma_start3A_92, %dma_start3A_93] : memref<280x64xf32, #tpu.memory_space<vmem>> -> memref<20x64xf32, #tpu.memory_space<vmem>>
    %dma_start3A_95 = arith.constant 0 : i32
    %dma_start3A_96 = tpu.memref_slice %arg8[%dma_start3A_91, %dma_start3A_95] : memref<512x20xi32, #tpu.memory_space<vmem>> -> memref<1x20xi32, #tpu.memory_space<vmem>>
    %dma_start3A_97 = tpu.memref_squeeze %dma_start3A_96 : memref<1x20xi32, #tpu.memory_space<vmem>> -> memref<20xi32, #tpu.memory_space<vmem>>
    %dma_start3A_98 = arith.constant 0 : i32
    %dma_start3A_99 = arith.constant 0 : i32
    %dma_start3A_100 = tpu.memref_slice %arg5[%dma_start3A_98, %dma_start3A_99] : memref<1000000x64xf32, #tpu.memory_space<hbm>> -> memref<1000000x64xf32, #tpu.memory_space<hbm>>
    tpu.enqueue_indirect_dma source(%dma_start3A_100 : memref<1000000x64xf32, #tpu.memory_space<hbm>>) target(%dma_start3A_94 : memref<20x64xf32, #tpu.memory_space<vmem>>) offsets(%dma_start3A_97 : memref<20xi32, #tpu.memory_space<vmem>>) semaphore(%arg16 : memref<!tpu.dma_semaphore, #tpu.memory_space<semaphore_mem>>)
    %dma_start3A_101 = arith.constant 3 : i32
    %dma_start3A_102 = arith.constant 60 : i32
    %dma_start3A_103 = arith.constant 0 : i32
    %dma_start3A_104 = tpu.memref_slice %arg11[%dma_start3A_102, %dma_start3A_103] : memref<280x64xf32, #tpu.memory_space<vmem>> -> memref<20x64xf32, #tpu.memory_space<vmem>>
    %dma_start3A_105 = arith.constant 0 : i32
    %dma_start3A_106 = tpu.memref_slice %arg8[%dma_start3A_101, %dma_start3A_105] : memref<512x20xi32, #tpu.memory_space<vmem>> -> memref<1x20xi32, #tpu.memory_space<vmem>>
    %dma_start3A_107 = tpu.memref_squeeze %dma_start3A_106 : memref<1x20xi32, #tpu.memory_space<vmem>> -> memref<20xi32, #tpu.memory_space<vmem>>
    %dma_start3A_108 = arith.constant 0 : i32
    %dma_start3A_109 = arith.constant 0 : i32
    %dma_start3A_110 = tpu.memref_slice %arg5[%dma_start3A_108, %dma_start3A_109] : memref<1000000x64xf32, #tpu.memory_space<hbm>> -> memref<1000000x64xf32, #tpu.memory_space<hbm>>
    tpu.enqueue_indirect_dma source(%dma_start3A_110 : memref<1000000x64xf32, #tpu.memory_space<hbm>>) target(%dma_start3A_104 : memref<20x64xf32, #tpu.memory_space<vmem>>) offsets(%dma_start3A_107 : memref<20xi32, #tpu.memory_space<vmem>>) semaphore(%arg16 : memref<!tpu.dma_semaphore, #tpu.memory_space<semaphore_mem>>)
    %dma_start3A_111 = arith.constant 0 : i32
    %dma_start3A_112 = arith.constant 80 : i32
    %dma_start3A_113 = arith.constant 0 : i32
    %dma_start3A_114 = tpu.memref_slice %arg11[%dma_start3A_112, %dma_start3A_113] : memref<280x64xf32, #tpu.memory_space<vmem>> -> memref<50x64xf32, #tpu.memory_space<vmem>>
    %dma_start3A_115 = arith.constant 0 : i32
    %dma_start3A_116 = tpu.memref_slice %arg9[%dma_start3A_111, %dma_start3A_115] : memref<512x50xi32, #tpu.memory_space<vmem>> -> memref<1x50xi32, #tpu.memory_space<vmem>>
    %dma_start3A_117 = tpu.memref_squeeze %dma_start3A_116 : memref<1x50xi32, #tpu.memory_space<vmem>> -> memref<50xi32, #tpu.memory_space<vmem>>
    %dma_start3A_118 = arith.constant 0 : i32
    %dma_start3A_119 = arith.constant 0 : i32
    %dma_start3A_120 = tpu.memref_slice %arg5[%dma_start3A_118, %dma_start3A_119] : memref<1000000x64xf32, #tpu.memory_space<hbm>> -> memref<1000000x64xf32, #tpu.memory_space<hbm>>
    tpu.enqueue_indirect_dma source(%dma_start3A_120 : memref<1000000x64xf32, #tpu.memory_space<hbm>>) target(%dma_start3A_114 : memref<50x64xf32, #tpu.memory_space<vmem>>) offsets(%dma_start3A_117 : memref<50xi32, #tpu.memory_space<vmem>>) semaphore(%arg16 : memref<!tpu.dma_semaphore, #tpu.memory_space<semaphore_mem>>)
    %dma_start3A_121 = arith.constant 1 : i32
    %dma_start3A_122 = arith.constant 130 : i32
    %dma_start3A_123 = arith.constant 0 : i32
    %dma_start3A_124 = tpu.memref_slice %arg11[%dma_start3A_122, %dma_start3A_123] : memref<280x64xf32, #tpu.memory_space<vmem>> -> memref<50x64xf32, #tpu.memory_space<vmem>>
    %dma_start3A_125 = arith.constant 0 : i32
    %dma_start3A_126 = tpu.memref_slice %arg9[%dma_start3A_121, %dma_start3A_125] : memref<512x50xi32, #tpu.memory_space<vmem>> -> memref<1x50xi32, #tpu.memory_space<vmem>>
    %dma_start3A_127 = tpu.memref_squeeze %dma_start3A_126 : memref<1x50xi32, #tpu.memory_space<vmem>> -> memref<50xi32, #tpu.memory_space<vmem>>
    %dma_start3A_128 = arith.constant 0 : i32
    %dma_start3A_129 = arith.constant 0 : i32
    %dma_start3A_130 = tpu.memref_slice %arg5[%dma_start3A_128, %dma_start3A_129] : memref<1000000x64xf32, #tpu.memory_space<hbm>> -> memref<1000000x64xf32, #tpu.memory_space<hbm>>
    tpu.enqueue_indirect_dma source(%dma_start3A_130 : memref<1000000x64xf32, #tpu.memory_space<hbm>>) target(%dma_start3A_124 : memref<50x64xf32, #tpu.memory_space<vmem>>) offsets(%dma_start3A_127 : memref<50xi32, #tpu.memory_space<vmem>>) semaphore(%arg16 : memref<!tpu.dma_semaphore, #tpu.memory_space<semaphore_mem>>)
    %dma_start3A_131 = arith.constant 2 : i32
    %dma_start3A_132 = arith.constant 180 : i32
    %dma_start3A_133 = arith.constant 0 : i32
    %dma_start3A_134 = tpu.memref_slice %arg11[%dma_start3A_132, %dma_start3A_133] : memref<280x64xf32, #tpu.memory_space<vmem>> -> memref<50x64xf32, #tpu.memory_space<vmem>>
    %dma_start3A_135 = arith.constant 0 : i32
    %dma_start3A_136 = tpu.memref_slice %arg9[%dma_start3A_131, %dma_start3A_135] : memref<512x50xi32, #tpu.memory_space<vmem>> -> memref<1x50xi32, #tpu.memory_space<vmem>>
    %dma_start3A_137 = tpu.memref_squeeze %dma_start3A_136 : memref<1x50xi32, #tpu.memory_space<vmem>> -> memref<50xi32, #tpu.memory_space<vmem>>
    %dma_start3A_138 = arith.constant 0 : i32
    %dma_start3A_139 = arith.constant 0 : i32
    %dma_start3A_140 = tpu.memref_slice %arg5[%dma_start3A_138, %dma_start3A_139] : memref<1000000x64xf32, #tpu.memory_space<hbm>> -> memref<1000000x64xf32, #tpu.memory_space<hbm>>
    tpu.enqueue_indirect_dma source(%dma_start3A_140 : memref<1000000x64xf32, #tpu.memory_space<hbm>>) target(%dma_start3A_134 : memref<50x64xf32, #tpu.memory_space<vmem>>) offsets(%dma_start3A_137 : memref<50xi32, #tpu.memory_space<vmem>>) semaphore(%arg16 : memref<!tpu.dma_semaphore, #tpu.memory_space<semaphore_mem>>)
    %dma_start3A_141 = arith.constant 3 : i32
    %dma_start3A_142 = arith.constant 230 : i32
    %dma_start3A_143 = arith.constant 0 : i32
    %dma_start3A_144 = tpu.memref_slice %arg11[%dma_start3A_142, %dma_start3A_143] : memref<280x64xf32, #tpu.memory_space<vmem>> -> memref<50x64xf32, #tpu.memory_space<vmem>>
    %dma_start3A_145 = arith.constant 0 : i32
    %dma_start3A_146 = tpu.memref_slice %arg9[%dma_start3A_141, %dma_start3A_145] : memref<512x50xi32, #tpu.memory_space<vmem>> -> memref<1x50xi32, #tpu.memory_space<vmem>>
    %dma_start3A_147 = tpu.memref_squeeze %dma_start3A_146 : memref<1x50xi32, #tpu.memory_space<vmem>> -> memref<50xi32, #tpu.memory_space<vmem>>
    %dma_start3A_148 = arith.constant 0 : i32
    %dma_start3A_149 = arith.constant 0 : i32
    %dma_start3A_150 = tpu.memref_slice %arg5[%dma_start3A_148, %dma_start3A_149] : memref<1000000x64xf32, #tpu.memory_space<hbm>> -> memref<1000000x64xf32, #tpu.memory_space<hbm>>
    tpu.enqueue_indirect_dma source(%dma_start3A_150 : memref<1000000x64xf32, #tpu.memory_space<hbm>>) target(%dma_start3A_144 : memref<50x64xf32, #tpu.memory_space<vmem>>) offsets(%dma_start3A_147 : memref<50xi32, #tpu.memory_space<vmem>>) semaphore(%arg16 : memref<!tpu.dma_semaphore, #tpu.memory_space<semaphore_mem>>)
    %mul3A_151 = arith.constant 128 : i32
    %mul3A_152 = arith.muli %add3A, %mul3A_151 : i32
    %scan3A = arith.constant 0 : i32
    %scan3A_153 = arith.constant 0 : i32
    %scan3A_154 = arith.constant 64 : i32
    %scan3A_155 = arith.addi %scan3A_153, %scan3A_154 : i32
    %scan3A_156 = arith.constant 1 : i32
    scf.for %scan3A_166 = %scan3A_153 to %scan3A_155 step %scan3A_156  : i32 {
      %mul3A_167 = arith.constant 2 : i32
      %mul3A_168 = arith.muli %mul3A_167, %scan3A_166 : i32
      %mul3A_169 = arith.constant 2 : i32
      %mul3A_170 = arith.muli %mul3A_169, %scan3A_166 : i32
      %add3A_171 = arith.constant 1 : i32
      %add3A_172 = arith.addi %mul3A_170, %add3A_171 : i32
      %mul3A_173 = arith.constant 4 : i32
      %mul3A_174 = arith.muli %add3A_172, %mul3A_173 : i32
      %add3A_175 = arith.constant 0 : i32
      %add3A_176 = arith.addi %mul3A_174, %add3A_175 : i32
      %dma_start3A_177 = arith.constant 0 : i32
      %dma_start3A_178 = arith.constant 0 : i32
      %dma_start3A_179 = tpu.memref_slice %arg12[%dma_start3A_177, %dma_start3A_178] : memref<280x64xf32, #tpu.memory_space<vmem>> -> memref<20x64xf32, #tpu.memory_space<vmem>>
      %dma_start3A_180 = arith.constant 0 : i32
      %dma_start3A_181 = tpu.memref_slice %arg8[%add3A_176, %dma_start3A_180] : memref<512x20xi32, #tpu.memory_space<vmem>> -> memref<1x20xi32, #tpu.memory_space<vmem>>
      %dma_start3A_182 = tpu.memref_squeeze %dma_start3A_181 : memref<1x20xi32, #tpu.memory_space<vmem>> -> memref<20xi32, #tpu.memory_space<vmem>>
      %dma_start3A_183 = arith.constant 0 : i32
      %dma_start3A_184 = arith.constant 0 : i32
      %dma_start3A_185 = tpu.memref_slice %arg5[%dma_start3A_183, %dma_start3A_184] : memref<1000000x64xf32, #tpu.memory_space<hbm>> -> memref<1000000x64xf32, #tpu.memory_space<hbm>>
      tpu.enqueue_indirect_dma source(%dma_start3A_185 : memref<1000000x64xf32, #tpu.memory_space<hbm>>) target(%dma_start3A_179 : memref<20x64xf32, #tpu.memory_space<vmem>>) offsets(%dma_start3A_182 : memref<20xi32, #tpu.memory_space<vmem>>) semaphore(%arg17 : memref<!tpu.dma_semaphore, #tpu.memory_space<semaphore_mem>>)
      %mul3A_186 = arith.constant 4 : i32
      %mul3A_187 = arith.muli %add3A_172, %mul3A_186 : i32
      %add3A_188 = arith.constant 1 : i32
      %add3A_189 = arith.addi %mul3A_187, %add3A_188 : i32
      %dma_start3A_190 = arith.constant 20 : i32
      %dma_start3A_191 = arith.constant 0 : i32
      %dma_start3A_192 = tpu.memref_slice %arg12[%dma_start3A_190, %dma_start3A_191] : memref<280x64xf32, #tpu.memory_space<vmem>> -> memref<20x64xf32, #tpu.memory_space<vmem>>
      %dma_start3A_193 = arith.constant 0 : i32
      %dma_start3A_194 = tpu.memref_slice %arg8[%add3A_189, %dma_start3A_193] : memref<512x20xi32, #tpu.memory_space<vmem>> -> memref<1x20xi32, #tpu.memory_space<vmem>>
      %dma_start3A_195 = tpu.memref_squeeze %dma_start3A_194 : memref<1x20xi32, #tpu.memory_space<vmem>> -> memref<20xi32, #tpu.memory_space<vmem>>
      %dma_start3A_196 = arith.constant 0 : i32
      %dma_start3A_197 = arith.constant 0 : i32
      %dma_start3A_198 = tpu.memref_slice %arg5[%dma_start3A_196, %dma_start3A_197] : memref<1000000x64xf32, #tpu.memory_space<hbm>> -> memref<1000000x64xf32, #tpu.memory_space<hbm>>
      tpu.enqueue_indirect_dma source(%dma_start3A_198 : memref<1000000x64xf32, #tpu.memory_space<hbm>>) target(%dma_start3A_192 : memref<20x64xf32, #tpu.memory_space<vmem>>) offsets(%dma_start3A_195 : memref<20xi32, #tpu.memory_space<vmem>>) semaphore(%arg17 : memref<!tpu.dma_semaphore, #tpu.memory_space<semaphore_mem>>)
      %mul3A_199 = arith.constant 4 : i32
      %mul3A_200 = arith.muli %add3A_172, %mul3A_199 : i32
      %add3A_201 = arith.constant 2 : i32
      %add3A_202 = arith.addi %mul3A_200, %add3A_201 : i32
      %dma_start3A_203 = arith.constant 40 : i32
      %dma_start3A_204 = arith.constant 0 : i32
      %dma_start3A_205 = tpu.memref_slice %arg12[%dma_start3A_203, %dma_start3A_204] : memref<280x64xf32, #tpu.memory_space<vmem>> -> memref<20x64xf32, #tpu.memory_space<vmem>>
      %dma_start3A_206 = arith.constant 0 : i32
      %dma_start3A_207 = tpu.memref_slice %arg8[%add3A_202, %dma_start3A_206] : memref<512x20xi32, #tpu.memory_space<vmem>> -> memref<1x20xi32, #tpu.memory_space<vmem>>
      %dma_start3A_208 = tpu.memref_squeeze %dma_start3A_207 : memref<1x20xi32, #tpu.memory_space<vmem>> -> memref<20xi32, #tpu.memory_space<vmem>>
      %dma_start3A_209 = arith.constant 0 : i32
      %dma_start3A_210 = arith.constant 0 : i32
      %dma_start3A_211 = tpu.memref_slice %arg5[%dma_start3A_209, %dma_start3A_210] : memref<1000000x64xf32, #tpu.memory_space<hbm>> -> memref<1000000x64xf32, #tpu.memory_space<hbm>>
      tpu.enqueue_indirect_dma source(%dma_start3A_211 : memref<1000000x64xf32, #tpu.memory_space<hbm>>) target(%dma_start3A_205 : memref<20x64xf32, #tpu.memory_space<vmem>>) offsets(%dma_start3A_208 : memref<20xi32, #tpu.memory_space<vmem>>) semaphore(%arg17 : memref<!tpu.dma_semaphore, #tpu.memory_space<semaphore_mem>>)
      %mul3A_212 = arith.constant 4 : i32
      %mul3A_213 = arith.muli %add3A_172, %mul3A_212 : i32
      %add3A_214 = arith.constant 3 : i32
      %add3A_215 = arith.addi %mul3A_213, %add3A_214 : i32
      %dma_start3A_216 = arith.constant 60 : i32
      %dma_start3A_217 = arith.constant 0 : i32
      %dma_start3A_218 = tpu.memref_slice %arg12[%dma_start3A_216, %dma_start3A_217] : memref<280x64xf32, #tpu.memory_space<vmem>> -> memref<20x64xf32, #tpu.memory_space<vmem>>
      %dma_start3A_219 = arith.constant 0 : i32
      %dma_start3A_220 = tpu.memref_slice %arg8[%add3A_215, %dma_start3A_219] : memref<512x20xi32, #tpu.memory_space<vmem>> -> memref<1x20xi32, #tpu.memory_space<vmem>>
      %dma_start3A_221 = tpu.memref_squeeze %dma_start3A_220 : memref<1x20xi32, #tpu.memory_space<vmem>> -> memref<20xi32, #tpu.memory_space<vmem>>
      %dma_start3A_222 = arith.constant 0 : i32
      %dma_start3A_223 = arith.constant 0 : i32
      %dma_start3A_224 = tpu.memref_slice %arg5[%dma_start3A_222, %dma_start3A_223] : memref<1000000x64xf32, #tpu.memory_space<hbm>> -> memref<1000000x64xf32, #tpu.memory_space<hbm>>
      tpu.enqueue_indirect_dma source(%dma_start3A_224 : memref<1000000x64xf32, #tpu.memory_space<hbm>>) target(%dma_start3A_218 : memref<20x64xf32, #tpu.memory_space<vmem>>) offsets(%dma_start3A_221 : memref<20xi32, #tpu.memory_space<vmem>>) semaphore(%arg17 : memref<!tpu.dma_semaphore, #tpu.memory_space<semaphore_mem>>)
      %mul3A_225 = arith.constant 4 : i32
      %mul3A_226 = arith.muli %add3A_172, %mul3A_225 : i32
      %add3A_227 = arith.constant 0 : i32
      %add3A_228 = arith.addi %mul3A_226, %add3A_227 : i32
      %dma_start3A_229 = arith.constant 80 : i32
      %dma_start3A_230 = arith.constant 0 : i32
      %dma_start3A_231 = tpu.memref_slice %arg12[%dma_start3A_229, %dma_start3A_230] : memref<280x64xf32, #tpu.memory_space<vmem>> -> memref<50x64xf32, #tpu.memory_space<vmem>>
      %dma_start3A_232 = arith.constant 0 : i32
      %dma_start3A_233 = tpu.memref_slice %arg9[%add3A_228, %dma_start3A_232] : memref<512x50xi32, #tpu.memory_space<vmem>> -> memref<1x50xi32, #tpu.memory_space<vmem>>
      %dma_start3A_234 = tpu.memref_squeeze %dma_start3A_233 : memref<1x50xi32, #tpu.memory_space<vmem>> -> memref<50xi32, #tpu.memory_space<vmem>>
      %dma_start3A_235 = arith.constant 0 : i32
      %dma_start3A_236 = arith.constant 0 : i32
      %dma_start3A_237 = tpu.memref_slice %arg5[%dma_start3A_235, %dma_start3A_236] : memref<1000000x64xf32, #tpu.memory_space<hbm>> -> memref<1000000x64xf32, #tpu.memory_space<hbm>>
      tpu.enqueue_indirect_dma source(%dma_start3A_237 : memref<1000000x64xf32, #tpu.memory_space<hbm>>) target(%dma_start3A_231 : memref<50x64xf32, #tpu.memory_space<vmem>>) offsets(%dma_start3A_234 : memref<50xi32, #tpu.memory_space<vmem>>) semaphore(%arg17 : memref<!tpu.dma_semaphore, #tpu.memory_space<semaphore_mem>>)
      %mul3A_238 = arith.constant 4 : i32
      %mul3A_239 = arith.muli %add3A_172, %mul3A_238 : i32
      %add3A_240 = arith.constant 1 : i32
      %add3A_241 = arith.addi %mul3A_239, %add3A_240 : i32
      %dma_start3A_242 = arith.constant 130 : i32
      %dma_start3A_243 = arith.constant 0 : i32
      %dma_start3A_244 = tpu.memref_slice %arg12[%dma_start3A_242, %dma_start3A_243] : memref<280x64xf32, #tpu.memory_space<vmem>> -> memref<50x64xf32, #tpu.memory_space<vmem>>
      %dma_start3A_245 = arith.constant 0 : i32
      %dma_start3A_246 = tpu.memref_slice %arg9[%add3A_241, %dma_start3A_245] : memref<512x50xi32, #tpu.memory_space<vmem>> -> memref<1x50xi32, #tpu.memory_space<vmem>>
      %dma_start3A_247 = tpu.memref_squeeze %dma_start3A_246 : memref<1x50xi32, #tpu.memory_space<vmem>> -> memref<50xi32, #tpu.memory_space<vmem>>
      %dma_start3A_248 = arith.constant 0 : i32
      %dma_start3A_249 = arith.constant 0 : i32
      %dma_start3A_250 = tpu.memref_slice %arg5[%dma_start3A_248, %dma_start3A_249] : memref<1000000x64xf32, #tpu.memory_space<hbm>> -> memref<1000000x64xf32, #tpu.memory_space<hbm>>
      tpu.enqueue_indirect_dma source(%dma_start3A_250 : memref<1000000x64xf32, #tpu.memory_space<hbm>>) target(%dma_start3A_244 : memref<50x64xf32, #tpu.memory_space<vmem>>) offsets(%dma_start3A_247 : memref<50xi32, #tpu.memory_space<vmem>>) semaphore(%arg17 : memref<!tpu.dma_semaphore, #tpu.memory_space<semaphore_mem>>)
      %mul3A_251 = arith.constant 4 : i32
      %mul3A_252 = arith.muli %add3A_172, %mul3A_251 : i32
      %add3A_253 = arith.constant 2 : i32
      %add3A_254 = arith.addi %mul3A_252, %add3A_253 : i32
      %dma_start3A_255 = arith.constant 180 : i32
      %dma_start3A_256 = arith.constant 0 : i32
      %dma_start3A_257 = tpu.memref_slice %arg12[%dma_start3A_255, %dma_start3A_256] : memref<280x64xf32, #tpu.memory_space<vmem>> -> memref<50x64xf32, #tpu.memory_space<vmem>>
      %dma_start3A_258 = arith.constant 0 : i32
      %dma_start3A_259 = tpu.memref_slice %arg9[%add3A_254, %dma_start3A_258] : memref<512x50xi32, #tpu.memory_space<vmem>> -> memref<1x50xi32, #tpu.memory_space<vmem>>
      %dma_start3A_260 = tpu.memref_squeeze %dma_start3A_259 : memref<1x50xi32, #tpu.memory_space<vmem>> -> memref<50xi32, #tpu.memory_space<vmem>>
      %dma_start3A_261 = arith.constant 0 : i32
      %dma_start3A_262 = arith.constant 0 : i32
      %dma_start3A_263 = tpu.memref_slice %arg5[%dma_start3A_261, %dma_start3A_262] : memref<1000000x64xf32, #tpu.memory_space<hbm>> -> memref<1000000x64xf32, #tpu.memory_space<hbm>>
      tpu.enqueue_indirect_dma source(%dma_start3A_263 : memref<1000000x64xf32, #tpu.memory_space<hbm>>) target(%dma_start3A_257 : memref<50x64xf32, #tpu.memory_space<vmem>>) offsets(%dma_start3A_260 : memref<50xi32, #tpu.memory_space<vmem>>) semaphore(%arg17 : memref<!tpu.dma_semaphore, #tpu.memory_space<semaphore_mem>>)
      %mul3A_264 = arith.constant 4 : i32
      %mul3A_265 = arith.muli %add3A_172, %mul3A_264 : i32
      %add3A_266 = arith.constant 3 : i32
      %add3A_267 = arith.addi %mul3A_265, %add3A_266 : i32
      %dma_start3A_268 = arith.constant 230 : i32
      %dma_start3A_269 = arith.constant 0 : i32
      %dma_start3A_270 = tpu.memref_slice %arg12[%dma_start3A_268, %dma_start3A_269] : memref<280x64xf32, #tpu.memory_space<vmem>> -> memref<50x64xf32, #tpu.memory_space<vmem>>
      %dma_start3A_271 = arith.constant 0 : i32
      %dma_start3A_272 = tpu.memref_slice %arg9[%add3A_267, %dma_start3A_271] : memref<512x50xi32, #tpu.memory_space<vmem>> -> memref<1x50xi32, #tpu.memory_space<vmem>>
      %dma_start3A_273 = tpu.memref_squeeze %dma_start3A_272 : memref<1x50xi32, #tpu.memory_space<vmem>> -> memref<50xi32, #tpu.memory_space<vmem>>
      %dma_start3A_274 = arith.constant 0 : i32
      %dma_start3A_275 = arith.constant 0 : i32
      %dma_start3A_276 = tpu.memref_slice %arg5[%dma_start3A_274, %dma_start3A_275] : memref<1000000x64xf32, #tpu.memory_space<hbm>> -> memref<1000000x64xf32, #tpu.memory_space<hbm>>
      tpu.enqueue_indirect_dma source(%dma_start3A_276 : memref<1000000x64xf32, #tpu.memory_space<hbm>>) target(%dma_start3A_270 : memref<50x64xf32, #tpu.memory_space<vmem>>) offsets(%dma_start3A_273 : memref<50xi32, #tpu.memory_space<vmem>>) semaphore(%arg17 : memref<!tpu.dma_semaphore, #tpu.memory_space<semaphore_mem>>)
      %dma_wait3A_277 = arith.constant 0 : i32
      %dma_wait3A_278 = arith.constant 0 : i32
      %dma_wait3A_279 = tpu.memref_slice %arg5[%dma_wait3A_277, %dma_wait3A_278] : memref<1000000x64xf32, #tpu.memory_space<hbm>> -> memref<280x64xf32, #tpu.memory_space<hbm>>
      %dma_wait3A_280 = arith.constant 0 : i32
      %dma_wait3A_281 = arith.constant 0 : i32
      %dma_wait3A_282 = tpu.memref_slice %arg5[%dma_wait3A_280, %dma_wait3A_281] : memref<1000000x64xf32, #tpu.memory_space<hbm>> -> memref<280x64xf32, #tpu.memory_space<hbm>>
      tpu.wait_dma2 semaphore(%arg16 : memref<!tpu.dma_semaphore, #tpu.memory_space<semaphore_mem>>) src(%dma_wait3A_282 : memref<280x64xf32, #tpu.memory_space<hbm>>) dst(%arg11 : memref<280x64xf32, #tpu.memory_space<vmem>>)
      %ge3A = arith.constant 1 : i32
      %ge3A_283 = arith.cmpi sge, %scan3A_166, %ge3A : i32
      %convert_element_type3A = arith.extui %ge3A_283 : i1 to i32
      %cond3A = arith.constant 0 : i32
      %cond3A_284 = arith.cmpi ne, %convert_element_type3A, %cond3A : i32
      scf.if %cond3A_284 {
        %dma_wait3A_322 = arith.constant 0 : i32
        %dma_wait3A_323 = tpu.memref_slice %arg6[%dma_wait3A_322] : memref<1146880xf32, #tpu.memory_space<hbm>> -> memref<280xf32, #tpu.memory_space<hbm>>
        %dma_wait3A_324 = arith.constant 0 : i32
        %dma_wait3A_325 = tpu.memref_slice %arg6[%dma_wait3A_324] : memref<1146880xf32, #tpu.memory_space<hbm>> -> memref<280xf32, #tpu.memory_space<hbm>>
        tpu.wait_dma2 semaphore(%arg18 : memref<!tpu.dma_semaphore, #tpu.memory_space<semaphore_mem>>) src(%arg13 : memref<280xf32, #tpu.memory_space<vmem>>) dst(%dma_wait3A_325 : memref<280xf32, #tpu.memory_space<hbm>>)
      } else {
      }
      %scan3A_285 = arith.constant 0 : i32
      %scan3A_286 = arith.constant 0 : i32
      %scan3A_287 = arith.constant 4 : i32
      %scan3A_288 = arith.addi %scan3A_286, %scan3A_287 : i32
      %scan3A_289 = arith.constant 1 : i32
      scf.for %scan3A_322 = %scan3A_286 to %scan3A_288 step %scan3A_289  : i32 {
        %mul3A_323 = arith.constant 4 : i32
        %mul3A_324 = arith.muli %mul3A_168, %mul3A_323 : i32
        %add3A_325 = arith.addi %mul3A_324, %scan3A_322 : i32
        %get3A = arith.index_cast %add3A_325 : i32 to index
        %get3A_326 = arith.constant 0 : index
        %get3A_327 = tpu.vector_load %arg10[%get3A, %get3A_326] {strides = array<i32>} : memref<512x64xf32, #tpu.memory_space<vmem>>, vector<16xf32>,
        %get3A_328 = arith.index_cast %add3A_325 : i32 to index
        %get3A_329 = arith.constant 16 : index
        %get3A_330 = tpu.vector_load %arg10[%get3A_328, %get3A_329] {strides = array<i32>} : memref<512x64xf32, #tpu.memory_space<vmem>>, vector<16xf32>,
        %get3A_331 = arith.index_cast %add3A_325 : i32 to index
        %get3A_332 = arith.constant 32 : index
        %get3A_333 = tpu.vector_load %arg10[%get3A_331, %get3A_332] {strides = array<i32>} : memref<512x64xf32, #tpu.memory_space<vmem>>, vector<16xf32>,
        %get3A_334 = arith.index_cast %add3A_325 : i32 to index
        %get3A_335 = arith.constant 48 : index
        %get3A_336 = tpu.vector_load %arg10[%get3A_334, %get3A_335] {strides = array<i32>} : memref<512x64xf32, #tpu.memory_space<vmem>>, vector<16xf32>,
        %parallel_loop3A = arith.constant 0 : i32
        %parallel_loop3A_337 = arith.constant 20 : i32
        %parallel_loop3A_338 = arith.constant 1 : i32
        scf.for %parallel_loop3A_342 = %parallel_loop3A to %parallel_loop3A_337 step %parallel_loop3A_338  : i32 {
          %parallel_loop3A_343 = arith.constant 20 : i32
          %parallel_loop3A_344 = arith.muli %scan3A_322, %parallel_loop3A_343 : i32
          %parallel_loop3A_345 = arith.constant 0 : i32
          %parallel_loop3A_346 = arith.addi %parallel_loop3A_345, %parallel_loop3A_344 : i32
          %parallel_loop3A_347 = arith.addi %parallel_loop3A_346, %parallel_loop3A_342 : i32
          %parallel_loop3A_348 = arith.constant 70 : i32
          %parallel_loop3A_349 = arith.muli %scan3A_322, %parallel_loop3A_348 : i32
          %parallel_loop3A_350 = arith.addi %parallel_loop3A_349, %parallel_loop3A_342 : i32
          %parallel_loop3A_351 = arith.index_cast %parallel_loop3A_347 : i32 to index
          %parallel_loop3A_352 = arith.constant 0 : index
          %parallel_loop3A_353 = tpu.vector_load %arg11[%parallel_loop3A_351, %parallel_loop3A_352] {strides = array<i32>} : memref<280x64xf32, #tpu.memory_space<vmem>>, vector<16xf32>,
          %parallel_loop3A_354 = arith.mulf %get3A_327, %parallel_loop3A_353 : vector<16xf32>
          %parallel_loop3A_355 = arith.index_cast %parallel_loop3A_347 : i32 to index
          %parallel_loop3A_356 = arith.constant 16 : index
          %parallel_loop3A_357 = tpu.vector_load %arg11[%parallel_loop3A_355, %parallel_loop3A_356] {strides = array<i32>} : memref<280x64xf32, #tpu.memory_space<vmem>>, vector<16xf32>,
          %parallel_loop3A_358 = arith.mulf %get3A_330, %parallel_loop3A_357 : vector<16xf32>
          %parallel_loop3A_359 = arith.addf %parallel_loop3A_354, %parallel_loop3A_358 : vector<16xf32>
          %parallel_loop3A_360 = arith.index_cast %parallel_loop3A_347 : i32 to index
          %parallel_loop3A_361 = arith.constant 32 : index
          %parallel_loop3A_362 = tpu.vector_load %arg11[%parallel_loop3A_360, %parallel_loop3A_361] {strides = array<i32>} : memref<280x64xf32, #tpu.memory_space<vmem>>, vector<16xf32>,
          %parallel_loop3A_363 = arith.mulf %get3A_333, %parallel_loop3A_362 : vector<16xf32>
          %parallel_loop3A_364 = arith.addf %parallel_loop3A_359, %parallel_loop3A_363 : vector<16xf32>
          %parallel_loop3A_365 = arith.index_cast %parallel_loop3A_347 : i32 to index
          %parallel_loop3A_366 = arith.constant 48 : index
          %parallel_loop3A_367 = tpu.vector_load %arg11[%parallel_loop3A_365, %parallel_loop3A_366] {strides = array<i32>} : memref<280x64xf32, #tpu.memory_space<vmem>>, vector<16xf32>,
          %parallel_loop3A_368 = arith.mulf %get3A_336, %parallel_loop3A_367 : vector<16xf32>
          %parallel_loop3A_369 = arith.addf %parallel_loop3A_364, %parallel_loop3A_368 : vector<16xf32>
          %parallel_loop3A_370 = arith.constant true
          %parallel_loop3A_371 = vector.broadcast %parallel_loop3A_370 : i1 to vector<16xi1>
          %parallel_loop3A_372 = tpu.scan <sum>, %parallel_loop3A_369 masked %parallel_loop3A_371 : vector<16xf32>, vector<16xi1> -> vector<16xf32>
          %parallel_loop3A_373 = vector.broadcast %parallel_loop3A_350 : i32 to vector<16xi32>
          tpu.vector_store_idx %arg13[%parallel_loop3A_373], %parallel_loop3A_372 masked %eq3A_2 : memref<280xf32, #tpu.memory_space<vmem>>[vector<16xi32>], vector<16xf32>, vector<16xi1>
        } {sc.loop_unroll_factor = 5 : i64, sc.parallel_access}
        %parallel_loop3A_339 = arith.constant 0 : i32
        %parallel_loop3A_340 = arith.constant 50 : i32
        %parallel_loop3A_341 = arith.constant 1 : i32
        scf.for %parallel_loop3A_342 = %parallel_loop3A_339 to %parallel_loop3A_340 step %parallel_loop3A_341  : i32 {
          %parallel_loop3A_343 = arith.constant 50 : i32
          %parallel_loop3A_344 = arith.muli %scan3A_322, %parallel_loop3A_343 : i32
          %parallel_loop3A_345 = arith.constant 80 : i32
          %parallel_loop3A_346 = arith.addi %parallel_loop3A_345, %parallel_loop3A_344 : i32
          %parallel_loop3A_347 = arith.addi %parallel_loop3A_346, %parallel_loop3A_342 : i32
          %parallel_loop3A_348 = arith.constant 70 : i32
          %parallel_loop3A_349 = arith.muli %scan3A_322, %parallel_loop3A_348 : i32
          %parallel_loop3A_350 = arith.constant 20 : i32
          %parallel_loop3A_351 = arith.addi %parallel_loop3A_349, %parallel_loop3A_350 : i32
          %parallel_loop3A_352 = arith.addi %parallel_loop3A_351, %parallel_loop3A_342 : i32
          %parallel_loop3A_353 = arith.index_cast %parallel_loop3A_347 : i32 to index
          %parallel_loop3A_354 = arith.constant 0 : index
          %parallel_loop3A_355 = tpu.vector_load %arg11[%parallel_loop3A_353, %parallel_loop3A_354] {strides = array<i32>} : memref<280x64xf32, #tpu.memory_space<vmem>>, vector<16xf32>,
          %parallel_loop3A_356 = arith.mulf %get3A_327, %parallel_loop3A_355 : vector<16xf32>
          %parallel_loop3A_357 = arith.index_cast %parallel_loop3A_347 : i32 to index
          %parallel_loop3A_358 = arith.constant 16 : index
          %parallel_loop3A_359 = tpu.vector_load %arg11[%parallel_loop3A_357, %parallel_loop3A_358] {strides = array<i32>} : memref<280x64xf32, #tpu.memory_space<vmem>>, vector<16xf32>,
          %parallel_loop3A_360 = arith.mulf %get3A_330, %parallel_loop3A_359 : vector<16xf32>
          %parallel_loop3A_361 = arith.addf %parallel_loop3A_356, %parallel_loop3A_360 : vector<16xf32>
          %parallel_loop3A_362 = arith.index_cast %parallel_loop3A_347 : i32 to index
          %parallel_loop3A_363 = arith.constant 32 : index
          %parallel_loop3A_364 = tpu.vector_load %arg11[%parallel_loop3A_362, %parallel_loop3A_363] {strides = array<i32>} : memref<280x64xf32, #tpu.memory_space<vmem>>, vector<16xf32>,
          %parallel_loop3A_365 = arith.mulf %get3A_333, %parallel_loop3A_364 : vector<16xf32>
          %parallel_loop3A_366 = arith.addf %parallel_loop3A_361, %parallel_loop3A_365 : vector<16xf32>
          %parallel_loop3A_367 = arith.index_cast %parallel_loop3A_347 : i32 to index
          %parallel_loop3A_368 = arith.constant 48 : index
          %parallel_loop3A_369 = tpu.vector_load %arg11[%parallel_loop3A_367, %parallel_loop3A_368] {strides = array<i32>} : memref<280x64xf32, #tpu.memory_space<vmem>>, vector<16xf32>,
          %parallel_loop3A_370 = arith.mulf %get3A_336, %parallel_loop3A_369 : vector<16xf32>
          %parallel_loop3A_371 = arith.addf %parallel_loop3A_366, %parallel_loop3A_370 : vector<16xf32>
          %parallel_loop3A_372 = arith.constant true
          %parallel_loop3A_373 = vector.broadcast %parallel_loop3A_372 : i1 to vector<16xi1>
          %parallel_loop3A_374 = tpu.scan <sum>, %parallel_loop3A_371 masked %parallel_loop3A_373 : vector<16xf32>, vector<16xi1> -> vector<16xf32>
          %parallel_loop3A_375 = vector.broadcast %parallel_loop3A_352 : i32 to vector<16xi32>
          tpu.vector_store_idx %arg13[%parallel_loop3A_375], %parallel_loop3A_374 masked %eq3A_2 : memref<280xf32, #tpu.memory_space<vmem>>[vector<16xi32>], vector<16xf32>, vector<16xi1>
        } {sc.loop_unroll_factor = 5 : i64, sc.parallel_access}
      }
      %scan3A_290 = arith.constant 4 : i32
      %add3A_291 = arith.addi %mul3A_152, %mul3A_168 : i32
      %mul3A_292 = arith.constant 280 : i32
      %mul3A_293 = arith.muli %add3A_291, %mul3A_292 : i32
      %dma_start3A_294 = tpu.memref_slice %arg6[%mul3A_293] : memref<1146880xf32, #tpu.memory_space<hbm>> -> memref<280xf32, #tpu.memory_space<hbm>>
      %dma_start3A_295 = tpu.memref_slice %arg6[%mul3A_293] : memref<1146880xf32, #tpu.memory_space<hbm>> -> memref<280xf32, #tpu.memory_space<hbm>>
      tpu.enqueue_dma source(%arg13 : memref<280xf32, #tpu.memory_space<vmem>>) target(%dma_start3A_295 : memref<280xf32, #tpu.memory_space<hbm>>) target_semaphore(%arg18 : memref<!tpu.dma_semaphore, #tpu.memory_space<semaphore_mem>>)
      %lt3A = arith.constant 63 : i32
      %lt3A_296 = arith.cmpi slt, %scan3A_166, %lt3A : i32
      %convert_element_type3A_297 = arith.extui %lt3A_296 : i1 to i32
      %cond3A_298 = arith.constant 0 : i32
      %cond3A_299 = arith.cmpi ne, %convert_element_type3A_297, %cond3A_298 : i32
      scf.if %cond3A_299 {
        %add3A_322 = arith.constant 1 : i32
        %add3A_323 = arith.addi %add3A_172, %add3A_322 : i32
        %mul3A_324 = arith.constant 4 : i32
        %mul3A_325 = arith.muli %add3A_323, %mul3A_324 : i32
        %add3A_326 = arith.constant 0 : i32
        %add3A_327 = arith.addi %mul3A_325, %add3A_326 : i32
        %dma_start3A_328 = arith.constant 0 : i32
        %dma_start3A_329 = arith.constant 0 : i32
        %dma_start3A_330 = tpu.memref_slice %arg11[%dma_start3A_328, %dma_start3A_329] : memref<280x64xf32, #tpu.memory_space<vmem>> -> memref<20x64xf32, #tpu.memory_space<vmem>>
        %dma_start3A_331 = arith.constant 0 : i32
        %dma_start3A_332 = tpu.memref_slice %arg8[%add3A_327, %dma_start3A_331] : memref<512x20xi32, #tpu.memory_space<vmem>> -> memref<1x20xi32, #tpu.memory_space<vmem>>
        %dma_start3A_333 = tpu.memref_squeeze %dma_start3A_332 : memref<1x20xi32, #tpu.memory_space<vmem>> -> memref<20xi32, #tpu.memory_space<vmem>>
        %dma_start3A_334 = arith.constant 0 : i32
        %dma_start3A_335 = arith.constant 0 : i32
        %dma_start3A_336 = tpu.memref_slice %arg5[%dma_start3A_334, %dma_start3A_335] : memref<1000000x64xf32, #tpu.memory_space<hbm>> -> memref<1000000x64xf32, #tpu.memory_space<hbm>>
        tpu.enqueue_indirect_dma source(%dma_start3A_336 : memref<1000000x64xf32, #tpu.memory_space<hbm>>) target(%dma_start3A_330 : memref<20x64xf32, #tpu.memory_space<vmem>>) offsets(%dma_start3A_333 : memref<20xi32, #tpu.memory_space<vmem>>) semaphore(%arg16 : memref<!tpu.dma_semaphore, #tpu.memory_space<semaphore_mem>>)
        %mul3A_337 = arith.constant 4 : i32
        %mul3A_338 = arith.muli %add3A_323, %mul3A_337 : i32
        %add3A_339 = arith.constant 1 : i32
        %add3A_340 = arith.addi %mul3A_338, %add3A_339 : i32
        %dma_start3A_341 = arith.constant 20 : i32
        %dma_start3A_342 = arith.constant 0 : i32
        %dma_start3A_343 = tpu.memref_slice %arg11[%dma_start3A_341, %dma_start3A_342] : memref<280x64xf32, #tpu.memory_space<vmem>> -> memref<20x64xf32, #tpu.memory_space<vmem>>
        %dma_start3A_344 = arith.constant 0 : i32
        %dma_start3A_345 = tpu.memref_slice %arg8[%add3A_340, %dma_start3A_344] : memref<512x20xi32, #tpu.memory_space<vmem>> -> memref<1x20xi32, #tpu.memory_space<vmem>>
        %dma_start3A_346 = tpu.memref_squeeze %dma_start3A_345 : memref<1x20xi32, #tpu.memory_space<vmem>> -> memref<20xi32, #tpu.memory_space<vmem>>
        %dma_start3A_347 = arith.constant 0 : i32
        %dma_start3A_348 = arith.constant 0 : i32
        %dma_start3A_349 = tpu.memref_slice %arg5[%dma_start3A_347, %dma_start3A_348] : memref<1000000x64xf32, #tpu.memory_space<hbm>> -> memref<1000000x64xf32, #tpu.memory_space<hbm>>
        tpu.enqueue_indirect_dma source(%dma_start3A_349 : memref<1000000x64xf32, #tpu.memory_space<hbm>>) target(%dma_start3A_343 : memref<20x64xf32, #tpu.memory_space<vmem>>) offsets(%dma_start3A_346 : memref<20xi32, #tpu.memory_space<vmem>>) semaphore(%arg16 : memref<!tpu.dma_semaphore, #tpu.memory_space<semaphore_mem>>)
        %mul3A_350 = arith.constant 4 : i32
        %mul3A_351 = arith.muli %add3A_323, %mul3A_350 : i32
        %add3A_352 = arith.constant 2 : i32
        %add3A_353 = arith.addi %mul3A_351, %add3A_352 : i32
        %dma_start3A_354 = arith.constant 40 : i32
        %dma_start3A_355 = arith.constant 0 : i32
        %dma_start3A_356 = tpu.memref_slice %arg11[%dma_start3A_354, %dma_start3A_355] : memref<280x64xf32, #tpu.memory_space<vmem>> -> memref<20x64xf32, #tpu.memory_space<vmem>>
        %dma_start3A_357 = arith.constant 0 : i32
        %dma_start3A_358 = tpu.memref_slice %arg8[%add3A_353, %dma_start3A_357] : memref<512x20xi32, #tpu.memory_space<vmem>> -> memref<1x20xi32, #tpu.memory_space<vmem>>
        %dma_start3A_359 = tpu.memref_squeeze %dma_start3A_358 : memref<1x20xi32, #tpu.memory_space<vmem>> -> memref<20xi32, #tpu.memory_space<vmem>>
        %dma_start3A_360 = arith.constant 0 : i32
        %dma_start3A_361 = arith.constant 0 : i32
        %dma_start3A_362 = tpu.memref_slice %arg5[%dma_start3A_360, %dma_start3A_361] : memref<1000000x64xf32, #tpu.memory_space<hbm>> -> memref<1000000x64xf32, #tpu.memory_space<hbm>>
        tpu.enqueue_indirect_dma source(%dma_start3A_362 : memref<1000000x64xf32, #tpu.memory_space<hbm>>) target(%dma_start3A_356 : memref<20x64xf32, #tpu.memory_space<vmem>>) offsets(%dma_start3A_359 : memref<20xi32, #tpu.memory_space<vmem>>) semaphore(%arg16 : memref<!tpu.dma_semaphore, #tpu.memory_space<semaphore_mem>>)
        %mul3A_363 = arith.constant 4 : i32
        %mul3A_364 = arith.muli %add3A_323, %mul3A_363 : i32
        %add3A_365 = arith.constant 3 : i32
        %add3A_366 = arith.addi %mul3A_364, %add3A_365 : i32
        %dma_start3A_367 = arith.constant 60 : i32
        %dma_start3A_368 = arith.constant 0 : i32
        %dma_start3A_369 = tpu.memref_slice %arg11[%dma_start3A_367, %dma_start3A_368] : memref<280x64xf32, #tpu.memory_space<vmem>> -> memref<20x64xf32, #tpu.memory_space<vmem>>
        %dma_start3A_370 = arith.constant 0 : i32
        %dma_start3A_371 = tpu.memref_slice %arg8[%add3A_366, %dma_start3A_370] : memref<512x20xi32, #tpu.memory_space<vmem>> -> memref<1x20xi32, #tpu.memory_space<vmem>>
        %dma_start3A_372 = tpu.memref_squeeze %dma_start3A_371 : memref<1x20xi32, #tpu.memory_space<vmem>> -> memref<20xi32, #tpu.memory_space<vmem>>
        %dma_start3A_373 = arith.constant 0 : i32
        %dma_start3A_374 = arith.constant 0 : i32
        %dma_start3A_375 = tpu.memref_slice %arg5[%dma_start3A_373, %dma_start3A_374] : memref<1000000x64xf32, #tpu.memory_space<hbm>> -> memref<1000000x64xf32, #tpu.memory_space<hbm>>
        tpu.enqueue_indirect_dma source(%dma_start3A_375 : memref<1000000x64xf32, #tpu.memory_space<hbm>>) target(%dma_start3A_369 : memref<20x64xf32, #tpu.memory_space<vmem>>) offsets(%dma_start3A_372 : memref<20xi32, #tpu.memory_space<vmem>>) semaphore(%arg16 : memref<!tpu.dma_semaphore, #tpu.memory_space<semaphore_mem>>)
        %mul3A_376 = arith.constant 4 : i32
        %mul3A_377 = arith.muli %add3A_323, %mul3A_376 : i32
        %add3A_378 = arith.constant 0 : i32
        %add3A_379 = arith.addi %mul3A_377, %add3A_378 : i32
        %dma_start3A_380 = arith.constant 80 : i32
        %dma_start3A_381 = arith.constant 0 : i32
        %dma_start3A_382 = tpu.memref_slice %arg11[%dma_start3A_380, %dma_start3A_381] : memref<280x64xf32, #tpu.memory_space<vmem>> -> memref<50x64xf32, #tpu.memory_space<vmem>>
        %dma_start3A_383 = arith.constant 0 : i32
        %dma_start3A_384 = tpu.memref_slice %arg9[%add3A_379, %dma_start3A_383] : memref<512x50xi32, #tpu.memory_space<vmem>> -> memref<1x50xi32, #tpu.memory_space<vmem>>
        %dma_start3A_385 = tpu.memref_squeeze %dma_start3A_384 : memref<1x50xi32, #tpu.memory_space<vmem>> -> memref<50xi32, #tpu.memory_space<vmem>>
        %dma_start3A_386 = arith.constant 0 : i32
        %dma_start3A_387 = arith.constant 0 : i32
        %dma_start3A_388 = tpu.memref_slice %arg5[%dma_start3A_386, %dma_start3A_387] : memref<1000000x64xf32, #tpu.memory_space<hbm>> -> memref<1000000x64xf32, #tpu.memory_space<hbm>>
        tpu.enqueue_indirect_dma source(%dma_start3A_388 : memref<1000000x64xf32, #tpu.memory_space<hbm>>) target(%dma_start3A_382 : memref<50x64xf32, #tpu.memory_space<vmem>>) offsets(%dma_start3A_385 : memref<50xi32, #tpu.memory_space<vmem>>) semaphore(%arg16 : memref<!tpu.dma_semaphore, #tpu.memory_space<semaphore_mem>>)
        %mul3A_389 = arith.constant 4 : i32
        %mul3A_390 = arith.muli %add3A_323, %mul3A_389 : i32
        %add3A_391 = arith.constant 1 : i32
        %add3A_392 = arith.addi %mul3A_390, %add3A_391 : i32
        %dma_start3A_393 = arith.constant 130 : i32
        %dma_start3A_394 = arith.constant 0 : i32
        %dma_start3A_395 = tpu.memref_slice %arg11[%dma_start3A_393, %dma_start3A_394] : memref<280x64xf32, #tpu.memory_space<vmem>> -> memref<50x64xf32, #tpu.memory_space<vmem>>
        %dma_start3A_396 = arith.constant 0 : i32
        %dma_start3A_397 = tpu.memref_slice %arg9[%add3A_392, %dma_start3A_396] : memref<512x50xi32, #tpu.memory_space<vmem>> -> memref<1x50xi32, #tpu.memory_space<vmem>>
        %dma_start3A_398 = tpu.memref_squeeze %dma_start3A_397 : memref<1x50xi32, #tpu.memory_space<vmem>> -> memref<50xi32, #tpu.memory_space<vmem>>
        %dma_start3A_399 = arith.constant 0 : i32
        %dma_start3A_400 = arith.constant 0 : i32
        %dma_start3A_401 = tpu.memref_slice %arg5[%dma_start3A_399, %dma_start3A_400] : memref<1000000x64xf32, #tpu.memory_space<hbm>> -> memref<1000000x64xf32, #tpu.memory_space<hbm>>
        tpu.enqueue_indirect_dma source(%dma_start3A_401 : memref<1000000x64xf32, #tpu.memory_space<hbm>>) target(%dma_start3A_395 : memref<50x64xf32, #tpu.memory_space<vmem>>) offsets(%dma_start3A_398 : memref<50xi32, #tpu.memory_space<vmem>>) semaphore(%arg16 : memref<!tpu.dma_semaphore, #tpu.memory_space<semaphore_mem>>)
        %mul3A_402 = arith.constant 4 : i32
        %mul3A_403 = arith.muli %add3A_323, %mul3A_402 : i32
        %add3A_404 = arith.constant 2 : i32
        %add3A_405 = arith.addi %mul3A_403, %add3A_404 : i32
        %dma_start3A_406 = arith.constant 180 : i32
        %dma_start3A_407 = arith.constant 0 : i32
        %dma_start3A_408 = tpu.memref_slice %arg11[%dma_start3A_406, %dma_start3A_407] : memref<280x64xf32, #tpu.memory_space<vmem>> -> memref<50x64xf32, #tpu.memory_space<vmem>>
        %dma_start3A_409 = arith.constant 0 : i32
        %dma_start3A_410 = tpu.memref_slice %arg9[%add3A_405, %dma_start3A_409] : memref<512x50xi32, #tpu.memory_space<vmem>> -> memref<1x50xi32, #tpu.memory_space<vmem>>
        %dma_start3A_411 = tpu.memref_squeeze %dma_start3A_410 : memref<1x50xi32, #tpu.memory_space<vmem>> -> memref<50xi32, #tpu.memory_space<vmem>>
        %dma_start3A_412 = arith.constant 0 : i32
        %dma_start3A_413 = arith.constant 0 : i32
        %dma_start3A_414 = tpu.memref_slice %arg5[%dma_start3A_412, %dma_start3A_413] : memref<1000000x64xf32, #tpu.memory_space<hbm>> -> memref<1000000x64xf32, #tpu.memory_space<hbm>>
        tpu.enqueue_indirect_dma source(%dma_start3A_414 : memref<1000000x64xf32, #tpu.memory_space<hbm>>) target(%dma_start3A_408 : memref<50x64xf32, #tpu.memory_space<vmem>>) offsets(%dma_start3A_411 : memref<50xi32, #tpu.memory_space<vmem>>) semaphore(%arg16 : memref<!tpu.dma_semaphore, #tpu.memory_space<semaphore_mem>>)
        %mul3A_415 = arith.constant 4 : i32
        %mul3A_416 = arith.muli %add3A_323, %mul3A_415 : i32
        %add3A_417 = arith.constant 3 : i32
        %add3A_418 = arith.addi %mul3A_416, %add3A_417 : i32
        %dma_start3A_419 = arith.constant 230 : i32
        %dma_start3A_420 = arith.constant 0 : i32
        %dma_start3A_421 = tpu.memref_slice %arg11[%dma_start3A_419, %dma_start3A_420] : memref<280x64xf32, #tpu.memory_space<vmem>> -> memref<50x64xf32, #tpu.memory_space<vmem>>
        %dma_start3A_422 = arith.constant 0 : i32
        %dma_start3A_423 = tpu.memref_slice %arg9[%add3A_418, %dma_start3A_422] : memref<512x50xi32, #tpu.memory_space<vmem>> -> memref<1x50xi32, #tpu.memory_space<vmem>>
        %dma_start3A_424 = tpu.memref_squeeze %dma_start3A_423 : memref<1x50xi32, #tpu.memory_space<vmem>> -> memref<50xi32, #tpu.memory_space<vmem>>
        %dma_start3A_425 = arith.constant 0 : i32
        %dma_start3A_426 = arith.constant 0 : i32
        %dma_start3A_427 = tpu.memref_slice %arg5[%dma_start3A_425, %dma_start3A_426] : memref<1000000x64xf32, #tpu.memory_space<hbm>> -> memref<1000000x64xf32, #tpu.memory_space<hbm>>
        tpu.enqueue_indirect_dma source(%dma_start3A_427 : memref<1000000x64xf32, #tpu.memory_space<hbm>>) target(%dma_start3A_421 : memref<50x64xf32, #tpu.memory_space<vmem>>) offsets(%dma_start3A_424 : memref<50xi32, #tpu.memory_space<vmem>>) semaphore(%arg16 : memref<!tpu.dma_semaphore, #tpu.memory_space<semaphore_mem>>)
      } else {
      }
      %dma_wait3A_300 = arith.constant 0 : i32
      %dma_wait3A_301 = arith.constant 0 : i32
      %dma_wait3A_302 = tpu.memref_slice %arg5[%dma_wait3A_300, %dma_wait3A_301] : memref<1000000x64xf32, #tpu.memory_space<hbm>> -> memref<280x64xf32, #tpu.memory_space<hbm>>
      %dma_wait3A_303 = arith.constant 0 : i32
      %dma_wait3A_304 = arith.constant 0 : i32
      %dma_wait3A_305 = tpu.memref_slice %arg5[%dma_wait3A_303, %dma_wait3A_304] : memref<1000000x64xf32, #tpu.memory_space<hbm>> -> memref<280x64xf32, #tpu.memory_space<hbm>>
      tpu.wait_dma2 semaphore(%arg17 : memref<!tpu.dma_semaphore, #tpu.memory_space<semaphore_mem>>) src(%dma_wait3A_305 : memref<280x64xf32, #tpu.memory_space<hbm>>) dst(%arg12 : memref<280x64xf32, #tpu.memory_space<vmem>>)
      %ge3A_306 = arith.constant 1 : i32
      %ge3A_307 = arith.cmpi sge, %scan3A_166, %ge3A_306 : i32
      %convert_element_type3A_308 = arith.extui %ge3A_307 : i1 to i32
      %cond3A_309 = arith.constant 0 : i32
      %cond3A_310 = arith.cmpi ne, %convert_element_type3A_308, %cond3A_309 : i32
      scf.if %cond3A_310 {
        %dma_wait3A_322 = arith.constant 0 : i32
        %dma_wait3A_323 = tpu.memref_slice %arg6[%dma_wait3A_322] : memref<1146880xf32, #tpu.memory_space<hbm>> -> memref<280xf32, #tpu.memory_space<hbm>>
        %dma_wait3A_324 = arith.constant 0 : i32
        %dma_wait3A_325 = tpu.memref_slice %arg6[%dma_wait3A_324] : memref<1146880xf32, #tpu.memory_space<hbm>> -> memref<280xf32, #tpu.memory_space<hbm>>
        tpu.wait_dma2 semaphore(%arg19 : memref<!tpu.dma_semaphore, #tpu.memory_space<semaphore_mem>>) src(%arg14 : memref<280xf32, #tpu.memory_space<vmem>>) dst(%dma_wait3A_325 : memref<280xf32, #tpu.memory_space<hbm>>)
      } else {
      }
      %scan3A_311 = arith.constant 0 : i32
      %scan3A_312 = arith.constant 0 : i32
      %scan3A_313 = arith.constant 4 : i32
      %scan3A_314 = arith.addi %scan3A_312, %scan3A_313 : i32
      %scan3A_315 = arith.constant 1 : i32
      scf.for %scan3A_322 = %scan3A_312 to %scan3A_314 step %scan3A_315  : i32 {
        %mul3A_323 = arith.constant 4 : i32
        %mul3A_324 = arith.muli %add3A_172, %mul3A_323 : i32
        %add3A_325 = arith.addi %mul3A_324, %scan3A_322 : i32
        %get3A = arith.index_cast %add3A_325 : i32 to index
        %get3A_326 = arith.constant 0 : index
        %get3A_327 = tpu.vector_load %arg10[%get3A, %get3A_326] {strides = array<i32>} : memref<512x64xf32, #tpu.memory_space<vmem>>, vector<16xf32>,
        %get3A_328 = arith.index_cast %add3A_325 : i32 to index
        %get3A_329 = arith.constant 16 : index
        %get3A_330 = tpu.vector_load %arg10[%get3A_328, %get3A_329] {strides = array<i32>} : memref<512x64xf32, #tpu.memory_space<vmem>>, vector<16xf32>,
        %get3A_331 = arith.index_cast %add3A_325 : i32 to index
        %get3A_332 = arith.constant 32 : index
        %get3A_333 = tpu.vector_load %arg10[%get3A_331, %get3A_332] {strides = array<i32>} : memref<512x64xf32, #tpu.memory_space<vmem>>, vector<16xf32>,
        %get3A_334 = arith.index_cast %add3A_325 : i32 to index
        %get3A_335 = arith.constant 48 : index
        %get3A_336 = tpu.vector_load %arg10[%get3A_334, %get3A_335] {strides = array<i32>} : memref<512x64xf32, #tpu.memory_space<vmem>>, vector<16xf32>,
        %parallel_loop3A = arith.constant 0 : i32
        %parallel_loop3A_337 = arith.constant 20 : i32
        %parallel_loop3A_338 = arith.constant 1 : i32
        scf.for %parallel_loop3A_342 = %parallel_loop3A to %parallel_loop3A_337 step %parallel_loop3A_338  : i32 {
          %parallel_loop3A_343 = arith.constant 20 : i32
          %parallel_loop3A_344 = arith.muli %scan3A_322, %parallel_loop3A_343 : i32
          %parallel_loop3A_345 = arith.constant 0 : i32
          %parallel_loop3A_346 = arith.addi %parallel_loop3A_345, %parallel_loop3A_344 : i32
          %parallel_loop3A_347 = arith.addi %parallel_loop3A_346, %parallel_loop3A_342 : i32
          %parallel_loop3A_348 = arith.constant 70 : i32
          %parallel_loop3A_349 = arith.muli %scan3A_322, %parallel_loop3A_348 : i32
          %parallel_loop3A_350 = arith.addi %parallel_loop3A_349, %parallel_loop3A_342 : i32
          %parallel_loop3A_351 = arith.index_cast %parallel_loop3A_347 : i32 to index
          %parallel_loop3A_352 = arith.constant 0 : index
          %parallel_loop3A_353 = tpu.vector_load %arg12[%parallel_loop3A_351, %parallel_loop3A_352] {strides = array<i32>} : memref<280x64xf32, #tpu.memory_space<vmem>>, vector<16xf32>,
          %parallel_loop3A_354 = arith.mulf %get3A_327, %parallel_loop3A_353 : vector<16xf32>
          %parallel_loop3A_355 = arith.index_cast %parallel_loop3A_347 : i32 to index
          %parallel_loop3A_356 = arith.constant 16 : index
          %parallel_loop3A_357 = tpu.vector_load %arg12[%parallel_loop3A_355, %parallel_loop3A_356] {strides = array<i32>} : memref<280x64xf32, #tpu.memory_space<vmem>>, vector<16xf32>,
          %parallel_loop3A_358 = arith.mulf %get3A_330, %parallel_loop3A_357 : vector<16xf32>
          %parallel_loop3A_359 = arith.addf %parallel_loop3A_354, %parallel_loop3A_358 : vector<16xf32>
          %parallel_loop3A_360 = arith.index_cast %parallel_loop3A_347 : i32 to index
          %parallel_loop3A_361 = arith.constant 32 : index
          %parallel_loop3A_362 = tpu.vector_load %arg12[%parallel_loop3A_360, %parallel_loop3A_361] {strides = array<i32>} : memref<280x64xf32, #tpu.memory_space<vmem>>, vector<16xf32>,
          %parallel_loop3A_363 = arith.mulf %get3A_333, %parallel_loop3A_362 : vector<16xf32>
          %parallel_loop3A_364 = arith.addf %parallel_loop3A_359, %parallel_loop3A_363 : vector<16xf32>
          %parallel_loop3A_365 = arith.index_cast %parallel_loop3A_347 : i32 to index
          %parallel_loop3A_366 = arith.constant 48 : index
          %parallel_loop3A_367 = tpu.vector_load %arg12[%parallel_loop3A_365, %parallel_loop3A_366] {strides = array<i32>} : memref<280x64xf32, #tpu.memory_space<vmem>>, vector<16xf32>,
          %parallel_loop3A_368 = arith.mulf %get3A_336, %parallel_loop3A_367 : vector<16xf32>
          %parallel_loop3A_369 = arith.addf %parallel_loop3A_364, %parallel_loop3A_368 : vector<16xf32>
          %parallel_loop3A_370 = arith.constant true
          %parallel_loop3A_371 = vector.broadcast %parallel_loop3A_370 : i1 to vector<16xi1>
          %parallel_loop3A_372 = tpu.scan <sum>, %parallel_loop3A_369 masked %parallel_loop3A_371 : vector<16xf32>, vector<16xi1> -> vector<16xf32>
          %parallel_loop3A_373 = vector.broadcast %parallel_loop3A_350 : i32 to vector<16xi32>
          tpu.vector_store_idx %arg14[%parallel_loop3A_373], %parallel_loop3A_372 masked %eq3A_2 : memref<280xf32, #tpu.memory_space<vmem>>[vector<16xi32>], vector<16xf32>, vector<16xi1>
        } {sc.loop_unroll_factor = 5 : i64, sc.parallel_access}
        %parallel_loop3A_339 = arith.constant 0 : i32
        %parallel_loop3A_340 = arith.constant 50 : i32
        %parallel_loop3A_341 = arith.constant 1 : i32
        scf.for %parallel_loop3A_342 = %parallel_loop3A_339 to %parallel_loop3A_340 step %parallel_loop3A_341  : i32 {
          %parallel_loop3A_343 = arith.constant 50 : i32
          %parallel_loop3A_344 = arith.muli %scan3A_322, %parallel_loop3A_343 : i32
          %parallel_loop3A_345 = arith.constant 80 : i32
          %parallel_loop3A_346 = arith.addi %parallel_loop3A_345, %parallel_loop3A_344 : i32
          %parallel_loop3A_347 = arith.addi %parallel_loop3A_346, %parallel_loop3A_342 : i32
          %parallel_loop3A_348 = arith.constant 70 : i32
          %parallel_loop3A_349 = arith.muli %scan3A_322, %parallel_loop3A_348 : i32
          %parallel_loop3A_350 = arith.constant 20 : i32
          %parallel_loop3A_351 = arith.addi %parallel_loop3A_349, %parallel_loop3A_350 : i32
          %parallel_loop3A_352 = arith.addi %parallel_loop3A_351, %parallel_loop3A_342 : i32
          %parallel_loop3A_353 = arith.index_cast %parallel_loop3A_347 : i32 to index
          %parallel_loop3A_354 = arith.constant 0 : index
          %parallel_loop3A_355 = tpu.vector_load %arg12[%parallel_loop3A_353, %parallel_loop3A_354] {strides = array<i32>} : memref<280x64xf32, #tpu.memory_space<vmem>>, vector<16xf32>,
          %parallel_loop3A_356 = arith.mulf %get3A_327, %parallel_loop3A_355 : vector<16xf32>
          %parallel_loop3A_357 = arith.index_cast %parallel_loop3A_347 : i32 to index
          %parallel_loop3A_358 = arith.constant 16 : index
          %parallel_loop3A_359 = tpu.vector_load %arg12[%parallel_loop3A_357, %parallel_loop3A_358] {strides = array<i32>} : memref<280x64xf32, #tpu.memory_space<vmem>>, vector<16xf32>,
          %parallel_loop3A_360 = arith.mulf %get3A_330, %parallel_loop3A_359 : vector<16xf32>
          %parallel_loop3A_361 = arith.addf %parallel_loop3A_356, %parallel_loop3A_360 : vector<16xf32>
          %parallel_loop3A_362 = arith.index_cast %parallel_loop3A_347 : i32 to index
          %parallel_loop3A_363 = arith.constant 32 : index
          %parallel_loop3A_364 = tpu.vector_load %arg12[%parallel_loop3A_362, %parallel_loop3A_363] {strides = array<i32>} : memref<280x64xf32, #tpu.memory_space<vmem>>, vector<16xf32>,
          %parallel_loop3A_365 = arith.mulf %get3A_333, %parallel_loop3A_364 : vector<16xf32>
          %parallel_loop3A_366 = arith.addf %parallel_loop3A_361, %parallel_loop3A_365 : vector<16xf32>
          %parallel_loop3A_367 = arith.index_cast %parallel_loop3A_347 : i32 to index
          %parallel_loop3A_368 = arith.constant 48 : index
          %parallel_loop3A_369 = tpu.vector_load %arg12[%parallel_loop3A_367, %parallel_loop3A_368] {strides = array<i32>} : memref<280x64xf32, #tpu.memory_space<vmem>>, vector<16xf32>,
          %parallel_loop3A_370 = arith.mulf %get3A_336, %parallel_loop3A_369 : vector<16xf32>
          %parallel_loop3A_371 = arith.addf %parallel_loop3A_366, %parallel_loop3A_370 : vector<16xf32>
          %parallel_loop3A_372 = arith.constant true
          %parallel_loop3A_373 = vector.broadcast %parallel_loop3A_372 : i1 to vector<16xi1>
          %parallel_loop3A_374 = tpu.scan <sum>, %parallel_loop3A_371 masked %parallel_loop3A_373 : vector<16xf32>, vector<16xi1> -> vector<16xf32>
          %parallel_loop3A_375 = vector.broadcast %parallel_loop3A_352 : i32 to vector<16xi32>
          tpu.vector_store_idx %arg14[%parallel_loop3A_375], %parallel_loop3A_374 masked %eq3A_2 : memref<280xf32, #tpu.memory_space<vmem>>[vector<16xi32>], vector<16xf32>, vector<16xi1>
        } {sc.loop_unroll_factor = 5 : i64, sc.parallel_access}
      }
      %scan3A_316 = arith.constant 4 : i32
      %add3A_317 = arith.addi %mul3A_152, %add3A_172 : i32
      %mul3A_318 = arith.constant 280 : i32
      %mul3A_319 = arith.muli %add3A_317, %mul3A_318 : i32
      %dma_start3A_320 = tpu.memref_slice %arg6[%mul3A_319] : memref<1146880xf32, #tpu.memory_space<hbm>> -> memref<280xf32, #tpu.memory_space<hbm>>
      %dma_start3A_321 = tpu.memref_slice %arg6[%mul3A_319] : memref<1146880xf32, #tpu.memory_space<hbm>> -> memref<280xf32, #tpu.memory_space<hbm>>
      tpu.enqueue_dma source(%arg14 : memref<280xf32, #tpu.memory_space<vmem>>) target(%dma_start3A_321 : memref<280xf32, #tpu.memory_space<hbm>>) target_semaphore(%arg19 : memref<!tpu.dma_semaphore, #tpu.memory_space<semaphore_mem>>)
    }
    %scan3A_157 = arith.constant 64 : i32
    %dma_wait3A_158 = arith.constant 0 : i32
    %dma_wait3A_159 = tpu.memref_slice %arg6[%dma_wait3A_158] : memref<1146880xf32, #tpu.memory_space<hbm>> -> memref<280xf32, #tpu.memory_space<hbm>>
    %dma_wait3A_160 = arith.constant 0 : i32
    %dma_wait3A_161 = tpu.memref_slice %arg6[%dma_wait3A_160] : memref<1146880xf32, #tpu.memory_space<hbm>> -> memref<280xf32, #tpu.memory_space<hbm>>
    tpu.wait_dma2 semaphore(%arg18 : memref<!tpu.dma_semaphore, #tpu.memory_space<semaphore_mem>>) src(%arg13 : memref<280xf32, #tpu.memory_space<vmem>>) dst(%dma_wait3A_161 : memref<280xf32, #tpu.memory_space<hbm>>)
    %dma_wait3A_162 = arith.constant 0 : i32
    %dma_wait3A_163 = tpu.memref_slice %arg6[%dma_wait3A_162] : memref<1146880xf32, #tpu.memory_space<hbm>> -> memref<280xf32, #tpu.memory_space<hbm>>
    %dma_wait3A_164 = arith.constant 0 : i32
    %dma_wait3A_165 = tpu.memref_slice %arg6[%dma_wait3A_164] : memref<1146880xf32, #tpu.memory_space<hbm>> -> memref<280xf32, #tpu.memory_space<hbm>>
    tpu.wait_dma2 semaphore(%arg19 : memref<!tpu.dma_semaphore, #tpu.memory_space<semaphore_mem>>) src(%arg14 : memref<280xf32, #tpu.memory_space<vmem>>) dst(%dma_wait3A_165 : memref<280xf32, #tpu.memory_space<hbm>>)
    return
  }
}

module attributes {stable_mosaic.version = 14 : i64} {
  func.func @_tc_loss_body(%arg0: i32, %arg1: memref<1120x128xf32, #tpu.memory_space<vmem>>, %arg2: memref<1x1xf32, #tpu.memory_space<vmem>>) attributes {dimension_semantics = [#tpu.dimension_semantics<arbitrary>], iteration_bounds = array<i64: 8>, scalar_prefetch = 0 : i64, scratch_operands = 0 : i64, tpu.core_type = #tpu.core_type<tc>, window_params = [{transform_indices = @transform_0, window_bounds = array<i64: 1120, 128>}, {pipeline_mode = #tpu.pipeline_mode<synchronous>, transform_indices = @transform_1, window_bounds = array<i64: 1, 1>}]} {
    %get3A = arith.constant 0 : index
    %get3A_0 = arith.constant 0 : index
    %get3A_1 = vector.load %arg1[%get3A, %get3A_0] : memref<1120x128xf32, #tpu.memory_space<vmem>>, vector<1120x128xf32>
    %iota3A = tpu.iota {dimensions = array<i32: 0>} : vector<1120x128xi32>
    %iota3A_2 = tpu.iota {dimensions = array<i32: 1>} : vector<1120x128xi32>
    %mul3A = arith.constant 1120 : i32
    %mul3A_3 = arith.muli %arg0, %mul3A : i32
    %add3A = vector.broadcast %mul3A_3 : i32 to vector<1120x128xi32>
    %add3A_4 = arith.addi %add3A, %iota3A : vector<1120x128xi32>
    %mul3A_5 = arith.constant 128 : i32
    %mul3A_6 = vector.broadcast %mul3A_5 : i32 to vector<1120x128xi32>
    %mul3A_7 = arith.muli %add3A_4, %mul3A_6 : vector<1120x128xi32>
    %add3A_8 = arith.addi %mul3A_7, %iota3A_2 : vector<1120x128xi32>
    %jit3A = arith.constant 70 : i32
    %eq3A = arith.constant 0 : i32
    %eq3A_9 = arith.cmpi eq, %jit3A, %eq3A : i32
    %jit3A_10 = arith.constant 1 : i32
    %select_n3A = arith.select %eq3A_9, %jit3A_10, %jit3A : i32
    %rem3A = vector.broadcast %select_n3A : i32 to vector<1120x128xi32>
    %rem3A_11 = arith.remsi %add3A_8, %rem3A : vector<1120x128xi32>
    %ne3A = arith.constant 0 : i32
    %ne3A_12 = vector.broadcast %ne3A : i32 to vector<1120x128xi32>
    %ne3A_13 = arith.cmpi ne, %rem3A_11, %ne3A_12 : vector<1120x128xi32>
    %lt3A = arith.constant 0 : i32
    %lt3A_14 = vector.broadcast %lt3A : i32 to vector<1120x128xi32>
    %lt3A_15 = arith.cmpi slt, %rem3A_11, %lt3A_14 : vector<1120x128xi32>
    %lt3A_16 = arith.constant 0 : i32
    %lt3A_17 = arith.cmpi slt, %select_n3A, %lt3A_16 : i32
    %ne3A_18 = vector.broadcast %lt3A_17 : i1 to vector<1120x128xi1>
    %ne3A_19 = vector.broadcast %ne3A_18 : vector<1120x128xi1> to vector<1120x128xi1>
    %ne3A_20 = arith.xori %lt3A_15, %ne3A_19 : vector<1120x128xi1>
    %and3A = arith.andi %ne3A_20, %ne3A_13 : vector<1120x128xi1>
    %add3A_21 = vector.broadcast %select_n3A : i32 to vector<1120x128xi32>
    %add3A_22 = arith.addi %rem3A_11, %add3A_21 : vector<1120x128xi32>
    %select_n3A_23 = arith.select %and3A, %add3A_22, %rem3A_11 : vector<1120x128xi1>, vector<1120x128xi32>
    %lt3A_24 = arith.constant 20 : i32
    %lt3A_25 = vector.broadcast %lt3A_24 : i32 to vector<1120x128xi32>
    %lt3A_26 = arith.cmpi slt, %select_n3A_23, %lt3A_25 : vector<1120x128xi32>
    %neg3A = arith.constant 0.000000e+00 : f32
    %neg3A_27 = vector.broadcast %neg3A : f32 to vector<1120x128xf32>
    %neg3A_28 = arith.subf %neg3A_27, %get3A_1 : vector<1120x128xf32>
    %select_n3A_29 = arith.select %lt3A_26, %get3A_1, %neg3A_28 : vector<1120x128xi1>, vector<1120x128xf32>
    %min3A = arith.constant 0.000000e+00 : f32
    %min3A_30 = vector.broadcast %min3A : f32 to vector<1120x128xf32>
    %min3A_31 = arith.minimumf %select_n3A_29, %min3A_30 : vector<1120x128xf32>
    %abs3A = math.absf %select_n3A_29 : vector<1120x128xf32>
    %neg3A_32 = arith.constant 0.000000e+00 : f32
    %neg3A_33 = vector.broadcast %neg3A_32 : f32 to vector<1120x128xf32>
    %neg3A_34 = arith.subf %neg3A_33, %abs3A : vector<1120x128xf32>
    %exp3A = math.exp %neg3A_34 : vector<1120x128xf32>
    %log1p3A = math.log1p %exp3A : vector<1120x128xf32>
    %sub3A = arith.subf %min3A_31, %log1p3A : vector<1120x128xf32>
    %reduce_sum3A = vector.shape_cast %sub3A : vector<1120x128xf32> to vector<1x1120x128xf32>
    %reduce_sum3A_35 = arith.constant dense<0.000000e+00> : vector<1xf32>
    %reduce_sum3A_36 = vector.multi_reduction <add>, %reduce_sum3A, %reduce_sum3A_35 [1, 2] : vector<1x1120x128xf32> to vector<1xf32>
    %reduce_sum3A_37 = vector.shape_cast %reduce_sum3A_36 : vector<1xf32> to vector<1x1x1xf32>
    %reduce_sum3A_38 = vector.extract %reduce_sum3A_37[0, 0, 0] : f32 from vector<1x1x1xf32>
    %eq3A_39 = arith.constant 0 : i32
    %eq3A_40 = arith.cmpi eq, %arg0, %eq3A_39 : i32
    %convert_element_type3A = arith.extui %eq3A_40 : i1 to i32
    %cond3A = arith.constant 0 : i32
    %cond3A_41 = arith.cmpi ne, %convert_element_type3A, %cond3A : i32
    scf.if %cond3A_41 {
      %broadcast_in_dim3A = arith.constant 0.000000e+00 : f32
      %broadcast_in_dim3A_54 = vector.broadcast %broadcast_in_dim3A : f32 to vector<1x1xf32>
      %swap3A_55 = arith.constant 0 : index
      %swap3A_56 = arith.constant 0 : index
      %swap3A_57 = vector.load %arg2[%swap3A_55, %swap3A_56] : memref<1x1xf32, #tpu.memory_space<vmem>>, vector<1x1xf32>
      tpu.vector_store %arg2[%swap3A_55, %swap3A_56], %broadcast_in_dim3A_54 {strides = array<i32>} : memref<1x1xf32, #tpu.memory_space<vmem>>, vector<1x1xf32>,
    } else {
    }
    %get3A_42 = arith.constant 0 : index
    %get3A_43 = arith.constant 0 : index
    %get3A_44 = vector.load %arg2[%get3A_42, %get3A_43] : memref<1x1xf32, #tpu.memory_space<vmem>>, vector<1x1xf32>
    %add3A_45 = vector.broadcast %reduce_sum3A_38 : f32 to vector<1x1xf32>
    %add3A_46 = arith.addf %get3A_44, %add3A_45 : vector<1x1xf32>
    %swap3A = arith.constant 0 : index
    %swap3A_47 = arith.constant 0 : index
    %swap3A_48 = vector.load %arg2[%swap3A, %swap3A_47] : memref<1x1xf32, #tpu.memory_space<vmem>>, vector<1x1xf32>
    tpu.vector_store %arg2[%swap3A, %swap3A_47], %add3A_46 {strides = array<i32>} : memref<1x1xf32, #tpu.memory_space<vmem>>, vector<1x1xf32>,
    %eq3A_49 = arith.constant 7 : i32
    %eq3A_50 = arith.cmpi eq, %arg0, %eq3A_49 : i32
    %convert_element_type3A_51 = arith.extui %eq3A_50 : i1 to i32
    %cond3A_52 = arith.constant 0 : i32
    %cond3A_53 = arith.cmpi ne, %convert_element_type3A_51, %cond3A_52 : i32
    scf.if %cond3A_53 {
      %get3A_54 = arith.constant 0 : index
      %get3A_55 = arith.constant 0 : index
      %get3A_56 = vector.load %arg2[%get3A_54, %get3A_55] : memref<1x1xf32, #tpu.memory_space<vmem>>, vector<1x1xf32>
      %neg3A_57 = arith.constant 0.000000e+00 : f32
      %neg3A_58 = vector.broadcast %neg3A_57 : f32 to vector<1x1xf32>
      %neg3A_59 = arith.subf %neg3A_58, %get3A_56 : vector<1x1xf32>
      %div3A = arith.constant 1.146880e+06 : f32
      %div3A_60 = vector.broadcast %div3A : f32 to vector<1x1xf32>
      %div3A_61 = arith.divf %neg3A_59, %div3A_60 : vector<1x1xf32>
      %swap3A_62 = arith.constant 0 : index
      %swap3A_63 = arith.constant 0 : index
      %swap3A_64 = vector.load %arg2[%swap3A_62, %swap3A_63] : memref<1x1xf32, #tpu.memory_space<vmem>>, vector<1x1xf32>
      tpu.vector_store %arg2[%swap3A_62, %swap3A_63], %div3A_61 {strides = array<i32>} : memref<1x1xf32, #tpu.memory_space<vmem>>, vector<1x1xf32>,
    } else {
    }
    return
  }
  func.func @transform_0(%arg0: i32) -> (i32, i32) {
    %c0_i32 = arith.constant 0 : i32
    %c0_i32_0 = arith.constant 0 : i32
    return %arg0, %c0_i32 : i32, i32
  }
  func.func @transform_1(%arg0: i32) -> (i32, i32) {
    %c0_i32 = arith.constant 0 : i32
    %c0_i32_0 = arith.constant 0 : i32
    %c0_i32_1 = arith.constant 0 : i32
    return %c0_i32, %c0_i32_0 : i32, i32
  }
}

</mosaic_0001>

<sc_bundles>
// kernel: kernel.4.cloned.1.call-start
scs
__scs_entry_jumppad:
0x0: {  	(pc) =	sbr.rel $0x88, $3  }
0x1: {  	(tag) =	ssettag $0x0;
	lr =	simm.s32 $0x1  }
0x2: {  	[smem:$0x3F9D] =	sst lr;
	_ =	strace $0xD0000000  }
0x3: {  	_ = 	snop  }
0x4: {  	_ = 	snop  }
0x5: {  	_ = 	snop  }
0x6: {  	_ = 	snop  }
0x7: {  	_ = 	snop  }
__scs_overlays_trampoline_lowered:
0x8: {  	[smem:$0x3FAC] =	sst s0  }
0x9: {  	[smem:$0x3FAD] =	sst s1  }
0xa: {  	[smem:$0x3FAE] =	sst s2  }
0xb: {  	[smem:$0x3FAF] =	sst s3  }
0xc: {  	[smem:$0x3FB0] =	sst s4  }
0xd: {  	[smem:$0x3FB1] =	sst s5  }
0xe: {  	[smem:$0x3FB2] =	sst s6  }
0xf: {  	[smem:$0x3FB3] =	sst s7  }
0x10: {  	[smem:$0x3FB4] =	sst s8  }
0x11: {  	[smem:$0x3FB5] =	sst s9;
	s0 =	simm.s32 @!p0 $0x0  }
0x12: {  	s1 =	sld [smem:$0x3F9B];
	s0 =	simm.s32 @p0 $0x1  }
0x13: {  	[smem:$0x3FB6] =	sst s0;
	s0 =	simm.s32 @!p1 $0x0  }
0x14: {  	s2 =	sld [smem:$0x3F9A];
	s0 =	simm.s32 @p1 $0x1  }
0x15: {  	[smem:$0x3FB7] =	sst s0;
	s0 =	simm.s32 @!p2 $0x0  }
0x16: {  	s3 =	sld [smem:$0x3FDB];
	s0 =	simm.s32 @p2 $0x1  }
0x17: {  	s4 =	simm.s32 $0x1BF5;
	[smem:$0x3FB9] =	sst s0  }
0x18: {  	s0 =	sld [smem:$0x3F9C];
	_ =	swait.ge [sflag:s4], $0x0  }
0x19: {  	s7 =	sld [smem:$0x3F9D]  }
0x1a: {  	s8 =	sadd.s32 $0xFFFFE003, lr  }
0x1b: {  	s9 =	sadd.s32 $0xFFFFFEF7, lr;
	s5 =	simm.s32 $0xFFFFFFFF;
	p2 =	slt.u32 s8, $0xFFFFF086  }
0x1c: {  	p1 =	slt.u32 s9, $0xF7A;
	s5 =	simm.s32 @!p2 $0x0  }
0x1d: {  	s5 =	simm.s32 @p1 $0x1;
	p0 =	seq.s32 s7, s2  }
0x1e: {  	s7 =	smul.u32 @!p0 $0xF7A, s2;
	p2 =	seq.s32 @!p0 s5, $0x0  }
0x1f: {  	s9 =	smul.u32 $0xF7A, s1;
	s8 =	simm.s32 @!p0 $0x1BF5;
	p2 =	por !p2, p0  }
0x20: {  	[sflag:s8] =	ssyncset.s32 @!p0 $0xFFFFF086;
	s6 =	sadd.s32 @!p0 s3, s7;
	s7 =	simm.s32 @!p0 $0x108  }
0x21: {  	s3 =	sadd.s32 s3, s9;
	s6 =	sadd.s32 @!p0 $0x88, s6;
	s7 =	simm.s32 @p2 $0x1082  }
0x22: {  	[simem:s7], [sflag:s8] =	dma.local @!p0 [hbm:s6], $0xF7A  }
0x23: {  	s9 =	sor.u32 $0xD0000000, s2;
	s6 =	simm.s32 $0x108;
	_ =	swait.ge @!p0 [sflag:s8], $0x0  }
0x24: {  	s3 =	sadd.s32 $0x88, s3;
	s6 =	simm.s32 @!p1 $0x1082;
	[sflag:s4] =	ssyncset.s32 $0xFFFFF086  }
0x25: {  	[simem:s6], [sflag:s4] =	dma.local [hbm:s3], $0xF7A  }
0x26: {  	[smem:$0x3F9D] =	sst s1;
	(tag) =	ssettag s2;
	_ =	strace s9  }
0x27: {  	s1 =	sld [smem:$0x3FAD]  }
0x28: {  	s2 =	sld [smem:$0x3FAE]  }
0x29: {  	s4 =	sld [smem:$0x3FB0]  }
0x2a: {  	p0 =	seq.s32 s5, $0x0;
	s5 =	sld [smem:$0x3FB1]  }
0x2b: {  	s6 =	sld [smem:$0x3FB2]  }
0x2c: {  	s7 =	sld [smem:$0x3FB3]  }
0x2d: {  	s3 =	simm.s32 $0x108;
	s8 =	sld [smem:$0x3FB4]  }
0x2e: {  	s3 =	simm.s32 @!p0 $0x1082;
	s9 =	sld [smem:$0x3FB5]  }
0x2f: {  	lr =	sadd.s32 s0, s3;
	s0 =	sld [smem:$0x3FAC]  }
0x30: {  	s3 =	sld [smem:$0x3FAF]  }
0x31: {  	[smem:$0x3FB8] =	sst s10  }
0x32: {  	s10 =	sld [smem:$0x3FB6];
	_ =	sdelay $0x3  }
0x33: {  	p0 =	seq.s32 s10, $0x1;
	s10 =	sld [smem:$0x3FB8];
	_ =	sdelay $0x3  }
0x34: {  	[smem:$0x3FB8] =	sst s10  }
0x35: {  	s10 =	sld [smem:$0x3FB7];
	_ =	sdelay $0x3  }
0x36: {  	p1 =	seq.s32 s10, $0x1;
	s10 =	sld [smem:$0x3FB8];
	_ =	sdelay $0x3  }
0x37: {  	[smem:$0x3FB8] =	sst s10  }
0x38: {  	s10 =	sld [smem:$0x3FB9]  }
0x39: {  	_ = 	snop;
	(pc) =	sbr.ind lr, $3  }
0x3a: {  	_ = 	snop  }
0x3b: {  	_ = 	snop  }
0x3c: {  	p2 =	seq.s32 s10, $0x1;
	s10 =	sld [smem:$0x3FB8]  }
0x3d: {  	_ =	shalt  }
0x3e: {  	_ =	shalt  }
0x3f: {  	_ =	shalt  }
0x40: {  	_ =	shalt  }
0x41: {  	_ =	shalt  }
0x42: {  	_ =	shalt  }
0x43: {  	_ =	shalt  }
0x44: {  	_ =	shalt  }
0x45: {  	_ =	shalt  }
0x46: {  	_ =	shalt  }
0x47: {  	_ =	shalt  }
0x48: {  	_ =	shalt  }
0x49: {  	_ =	shalt  }
0x4a: {  	_ =	shalt  }
0x4b: {  	_ =	shalt  }
0x4c: {  	_ =	shalt  }
0x4d: {  	_ =	shalt  }
0x4e: {  	_ =	shalt  }
0x4f: {  	_ =	shalt  }
0x50: {  	_ =	shalt  }
0x51: {  	_ =	shalt  }
0x52: {  	_ =	shalt  }
0x53: {  	_ =	shalt  }
0x54: {  	_ =	shalt  }
0x55: {  	_ =	shalt  }
0x56: {  	_ =	shalt  }
0x57: {  	_ =	shalt  }
0x58: {  	_ =	shalt  }
0x59: {  	_ =	shalt  }
0x5a: {  	_ =	shalt  }
0x5b: {  	_ =	shalt  }
0x5c: {  	_ =	shalt  }
0x5d: {  	_ =	shalt  }
0x5e: {  	_ =	shalt  }
0x5f: {  	_ =	shalt  }
0x60: {  	_ =	shalt  }
0x61: {  	_ =	shalt  }
0x62: {  	_ =	shalt  }
0x63: {  	_ =	shalt  }
0x64: {  	_ =	shalt  }
0x65: {  	_ =	shalt  }
0x66: {  	_ =	shalt  }
0x67: {  	_ =	shalt  }
0x68: {  	_ =	shalt  }
0x69: {  	_ =	shalt  }
0x6a: {  	_ =	shalt  }
0x6b: {  	_ =	shalt  }
0x6c: {  	_ =	shalt  }
0x6d: {  	_ =	shalt  }
0x6e: {  	_ =	shalt  }
0x6f: {  	_ =	shalt  }
0x70: {  	_ =	shalt  }
0x71: {  	_ =	shalt  }
0x72: {  	_ =	shalt  }
0x73: {  	_ =	shalt  }
0x74: {  	_ =	shalt  }
0x75: {  	_ =	shalt  }
0x76: {  	_ =	shalt  }
0x77: {  	_ =	shalt  }
0x78: {  	_ =	shalt  }
0x79: {  	_ =	shalt  }
0x7a: {  	_ =	shalt  }
0x7b: {  	_ =	shalt  }
0x7c: {  	_ =	shalt  }
0x7d: {  	_ =	shalt  }
0x7e: {  	_ =	shalt  }
0x7f: {  	_ =	shalt  }
0x80: {  	_ =	shalt  }
0x81: {  	_ =	shalt  }
0x82: {  	_ =	shalt  }
0x83: {  	_ =	shalt  }
0x84: {  	_ =	shalt  }
0x85: {  	_ =	shalt  }
0x86: {  	_ =	shalt  }
0x87: {  	_ =	shalt  }
.Lfunc_end0:
.L_simem_size_0:
called_computation_lowered:
.L_overlay_start_0:
0x88: {  	s2 =	sld [smem:$0x3FD9]  }
0x89: {  	s3 =	sld [smem:$0x3FFE];
	_ =	sdelay $0x1  }
0x8a: {  	s1 =	srdreg.scid  }
0x8b: {  	s0 =	sand.u32 $0x1, s1  }
0x8c: {  	s17 =	sshll.u32 s0, $0xA;
	s2 =	sadd.s32 s3, s2  }
0x8d: {  	s2 =	sadd.s32 s2, s17  }
0x8e: {  	[smem:$0x3FC4] =	sst s2  }
0x8f: {  	_ = 	snop  }
0x90: {  	s2 =	sld [smem:$0x3FC9];
	(tm) =	ssettm $0x1  }
0x91: {  	s18 =	sld [smem:$0x3FFB];
	_ =	sdelay $0x3  }
0x92: {  	_ =	strace s18  }
0x93: {  	s3 =	sld [smem:$0x3FFC];
	_ =	sdelay $0x3  }
0x94: {  	_ =	strace s3  }
0x95: {  	s3 =	sld [smem:$0x3FFD];
	_ =	sdelay $0x3  }
0x96: {  	_ =	strace s3  }
0x97: {  	_ =	strace $0x8FFFFFFF  }
0x98: {  	s19 =	sld [smem:$0x3FDB];
	_ =	sdelay $0x1  }
0x99: {  	s4 =	simm.s32 $_scs_section_size  }
0x9a: {  	s5 =	simm.s32 $_size__tile_overlayer_lowered;
	s6 =	simm.s32 $_tile_overlayer_lowered  }
0x9b: {  	s22 =	simm.s32 $0x1BFF;
	s21 =	sshll.u32 s6, $0x1;
	s3 =	sadd.s32 s4, s19  }
0x9c: {  	s7 =	simm.s32 $0x0;
	s20 =	sshll.u32 s5, $0x1;
	s5 =	sadd.s32 s21, s3  }
0x9d: {  	[timem:s7], [sflag:s22] =	dma.local [hbm:s5], s20  }
0x9e: {  	_ =	swait.ge [sflag:s22], s20  }
0x9f: {  	s4 =	ssub.s32 $0x0, s20;
	[sflag:s22] =	ssyncset.done $0x0  }
0xa0: {  	[sflag:s22] =	ssyncadd.s32 s4;
	_ =	sdelay $0x1  }
0xa1: {  	s23 =	simm.s32 $0x1B8B  }
0xa2: {  	_ =	swait.ge [sflag:s23], $0x1  }
0xa3: {  	[sflag:s23] =	ssyncset.done $0x0  }
0xa4: {  	s25 =	simm.s32 $0x1B8E;
	s24 =	sld [smem:$0x3FFE];
	[sflag:s23] =	ssyncadd.s32 $0xFFFFFFFF  }
0xa5: {  	s26 =	simm.s32 $execute0_lowered;
	[smem:$0x3FD2] =	sst s25  }
0xa6: {  	s5 =	sshll.u32 s26, $0x1;
	_ =	strace $0x80000046;
	[dreg:$0x1] =	wrdreg $0xFFFFFFFF  }
0xa7: {  	s28 =	simm.s32 $_size_execute0_lowered;
	s3 =	sadd.s32 s3, s5;
	[dreg:$0x0] =	wrdreg $0x0  }
0xa8: {  	s5 =	sshll.u32 s28, $0x1;
	[dreg:$0x2] =	wrdreg s3  }
0xa9: {  	[dreg:$0x3] =	wrdreg s5  }
0xaa: {  	[dreg:$0x4] =	wrdreg $0xC0  }
0xab: {  	_ =	task [dreg:s7], $0x5FFFF  }
0xac: {  	[dreg:$0x1] =	wrdreg $0xFFFFFFFF  }
0xad: {  	[dreg:$0x0] =	wrdreg $0x60  }
0xae: {  	[dreg:$0x2] =	wrdreg s2  }
0xaf: {  	[dreg:$0x3] =	wrdreg s24  }
0xb0: {  	[dreg:$0x4] =	wrdreg $0x9  }
0xb1: {  	_ =	task.clear_ibuf [dreg:s7], $0x5FFFF;
	_ =	strace $0x90000046  }
0xb2: {  	s29 =	simm.s32 $0x9;
	_ =	strace $0x80000048  }
0xb3: {  	_ =	swait.ge [sflag:s29], $0x1  }
0xb4: {  	[sflag:s29] =	ssyncadd.s32 $0xFFFFFFFF  }
0xb5: {  	_ =	strace $0x90000048  }
0xb6: {  	_ =	sfence  }
0xb7: {  	s30 =	sld [smem:$0x0];
	_ =	sdelay $0x2  }
0xb8: {  	s31 =	sshll.u32 s1, $0xD;
	s1 =	sshrl.u32 s1, $0x2  }
0xb9: {  	s3 =	sand.u32 $0x4000, s31;
	s1 =	sadd.s32 s1, s30  }
0xba: {  	s0 =	sor.u32 s3, s0;
	s1 =	sshll.u32 s1, $0x11  }
0xbb: {  	s0 =	sor.u32 s1, s0  }
0xbc: {  	s0 =	sadd.s32 $0x8F2B, s0  }
0xbd: {  	[sflag:s0] =	ssyncadd.remote.s32 $0x1  }
0xbe: {  	_ =	sfence.sel $0xFFFF  }
0xbf: {  	[dreg:$0x0] =	wrdreg $0xFFFFFFFF;
	(pc) =	sbr.abs _section_cstart, $3  }
0xc0: {  	[dreg:$0x1] =	wrdreg $0xFFFFFFFF  }
0xc1: {  	_ =	task.clear_ibuf [dreg:s7], $0x2FFFF;
	_ =	strace $0x9FFFFFFF  }
0xc2: {  	(tm) =	ssettm $0x7FFFFFFF  }
0xc3: {  	_ =	shalt  }
tec
execute0_lowered:
.L_overlay_start_1:
0x0: {  	(tag) =	ssettag $0x1  }
0x1: {  	s0 =	srdreg.scid;
	s1 =	rddreg [dreg:$0x0]  }
0x2: {  	s2 =	stileid.u32;
	s4 =	rddreg [dreg:$0x1]  }
0x3: {  	s21 =	simm.s32 $0x14;
	s30 =	simm.s32 $0x32;
	s14 =	simm.s32 $0x19500  }
0x4: {  	s16 =	simm.s32 $0x1A180;
	s0 =	sand.u32 $0x1, s0;
	s2 =	sshll.u32 s2, $0x1  }
0x5: {  	s11 =	simm.s32 $0x2;
	s12 =	simm.s32 $0x1AE00;
	s5 =	sor.u32 s0, s2  }
0x6: {  	s2 =	simm.s32 $0x0;
	s0 =	ssub.s32 $0x2, s0;
	s3 =	smul.u32 $0x600, s5  }
0x7: {  	[smem:$0x7FF] =	sst s2;
	s6 =	smul.u32 $0xE00, s5;
	s8 =	sshrl.u32 s0, $0x1  }
0x8: {  	s9 =	sshll.u32 s5, $0x6;
	_ =	strace $0x80000047;
	s0 =	ssub.s32 s0, s8  }
0x9: {  	s1 =	sadd.s32 s1, s9;
	s8 =	sshll.u32 s5, $0x7;
	s5 =	simm.s32 $0x3  }
0xa: {  	s9 =	simm.s32 $0x0;
	s7 =	sadd.s32 s3, s4;
	s6 =	sadd.s32 s6, s4  }
0xb: {  	vm0 =	vcmask $0x3F3C;
	s3 =	sadd.s32 $0xF42E00, s4;
	[dreg:$0x3] =	wrdreg s1;
	s0 =	smax.u32 s0, $0x1  }
0xc: {  	s4 =	sadd.s32 $0x28A00, s4;
	s29 =	sadd.s32 $0x1CA00, s7;
	[dreg:$0x6] =	wrdreg s0  }
0xd: {  	s1 =	simm.s32 $0x18880;
	s31 =	sadd.s32 $0xA00, s6;
	[dreg:$0x4] =	wrdreg s29  }
0xe: {  	s6 =	simm.s32 $0x5;
	s7 =	simm.s32 $0x1AF18;
	[dreg:$0x5] =	wrdreg s31  }
.LBB2_1:
0xf: {  	[dreg:$0x7] =	wrdreg s9  }
0x10: {  	s0 =	rddreg [dreg:$0x3];
	s19 =	simm.s32 $0x6  }
0x11: {  	[tilespmem:s2], [sflag:$0x6] =	stream.linear.gather [hbm4b:s0+s2], $0x200, $0x38;
	[tilespmem:$0x1B030] =	vst v63  }
0x12: {  	_ =	swait.ge [sflag:s19], $0x200  }
0x13: {  	[sflag:s19] =	ssyncset.done $0x0  }
0x14: {  	s22 =	simm.s32 $0x200;
	s20 =	rddreg [dreg:$0x4];
	[sflag:s19] =	ssyncadd.s32 $0xFFFFFE00  }
0x15: {  	[tilespmem:s22], [sflag:$0x1] =	stream.linear.gather [hbm4b:s20+s2], $0x3000, $0x38;
	[tilespmem:$0x1B030] =	vst v63  }
0x16: {  	s10 =	simm.s32 $0x3200;
	s23 =	rddreg [dreg:$0x5]  }
0x17: {  	[tilespmem:s10], [sflag:$0x1] =	stream.linear.gather [hbm4b:s23+s2], $0x7000, $0x38;
	[tilespmem:$0x1B030] =	vst v63  }
0x18: {  	s24 =	simm.s32 $0x80;
	s13 =	simm.s32 $0xA200  }
0x19: {  	[tilespmem:s13], [sflag:$0x1] =	stream.indirect.gather [hbm4b:s3+s24], $0x40, s2, s24, $0xb8;
	[tilespmem:$0x1B030] =	vst v63  }
0x1a: {  	s25 =	simm.s32 $0xC200  }
0x1b: {  	[tilespmem:s25], [sflag:$0x1] =	stream.indirect.gather [hbm4b:s3+s24], $0x40, s24, s24, $0xb8;
	[tilespmem:$0x1B030] =	vst v63  }
0x1c: {  	s26 =	simm.s32 $0x100;
	s15 =	simm.s32 $0xE200  }
0x1d: {  	[tilespmem:s15], [sflag:$0x1] =	stream.indirect.gather [hbm4b:s3+s24], $0x40, s26, s24, $0xb8;
	[tilespmem:$0x1B030] =	vst v63  }
0x1e: {  	s28 =	simm.s32 $0x180;
	s29 =	simm.s32 $0x10200;
	s31 =	simm.s32 $0x1  }
0x1f: {  	[tilespmem:s29], [sflag:$0x1] =	stream.indirect.gather [hbm4b:s3+s24], $0x40, s28, s24, $0xb8;
	[tilespmem:$0x1B030] =	vst v63  }
0x20: {  	_ =	swait.ge [sflag:s31], $0x3000  }
0x21: {  	[sflag:s31] =	ssyncset.done $0x0  }
0x22: {  	[sflag:s31] =	ssyncadd.s32 $0xFFFFD000  }
0x23: {  	_ =	swait.ge [sflag:s31], $0x7000  }
0x24: {  	[sflag:s31] =	ssyncset.done $0x0  }
0x25: {  	[sflag:s31] =	ssyncadd.s32 $0xFFFF9000  }
0x26: {  	_ =	swait.ge [sflag:s31], $0x8000  }
0x27: {  	[sflag:s31] =	ssyncset.done $0x0  }
0x28: {  	s13 =	simm.s32 $0x12200;
	[sflag:s31] =	ssyncadd.s32 $0xFFFF8000  }
0x29: {  	[tilespmem:s13], [sflag:$0x2] =	stream.indirect.gather [hbm4b:s3+s21], $0x40, s22, s21, $0xb8;
	[tilespmem:$0x1B030] =	vst v63  }
0x2a: {  	s17 =	simm.s32 $0x12700;
	s15 =	simm.s32 $0x218  }
0x2b: {  	[tilespmem:s17], [sflag:$0x2] =	stream.indirect.gather [hbm4b:s3+s21], $0x40, s15, s21, $0xb8;
	[tilespmem:$0x1B030] =	vst v63  }
0x2c: {  	s18 =	simm.s32 $0x230;
	s19 =	simm.s32 $0x12C00  }
0x2d: {  	[tilespmem:s19], [sflag:$0x2] =	stream.indirect.gather [hbm4b:s3+s21], $0x40, s18, s21, $0xb8;
	[tilespmem:$0x1B030] =	vst v63  }
0x2e: {  	s20 =	simm.s32 $0x248;
	s22 =	simm.s32 $0x13100  }
0x2f: {  	[tilespmem:s22], [sflag:$0x2] =	stream.indirect.gather [hbm4b:s3+s21], $0x40, s20, s21, $0xb8;
	[tilespmem:$0x1B030] =	vst v63  }
0x30: {  	s23 =	simm.s32 $0x13600  }
0x31: {  	[tilespmem:s23], [sflag:$0x2] =	stream.indirect.gather [hbm4b:s3+s30], $0x40, s10, s30, $0xb8;
	[tilespmem:$0x1B030] =	vst v63  }
0x32: {  	s25 =	simm.s32 $0x14280;
	s24 =	simm.s32 $0x3238  }
0x33: {  	[tilespmem:s25], [sflag:$0x2] =	stream.indirect.gather [hbm4b:s3+s30], $0x40, s24, s30, $0xb8;
	[tilespmem:$0x1B030] =	vst v63  }
0x34: {  	s26 =	simm.s32 $0x3270;
	s28 =	simm.s32 $0x14F00  }
0x35: {  	[tilespmem:s28], [sflag:$0x2] =	stream.indirect.gather [hbm4b:s3+s30], $0x40, s26, s30, $0xb8;
	[tilespmem:$0x1B030] =	vst v63  }
0x36: {  	s9 =	simm.s32 $0x0;
	s29 =	simm.s32 $0x32A8;
	s31 =	simm.s32 $0x15B80  }
0x37: {  	[tilespmem:s31], [sflag:$0x2] =	stream.indirect.gather [hbm4b:s3+s30], $0x40, s29, s30, $0xb8;
	[tilespmem:$0x1B030] =	vst v63  }
.LBB2_2:
0x38: {  	s13 =	sshllo.u32 s9, $0x1  }
0x39: {  	s0 =	smul.u32 $0x180, s13  }
0x3a: {  	s20 =	sshll.u32 s13, $0x2  }
0x3b: {  	s10 =	sor.u32 $0x1, s20;
	s0 =	sshra.s32 s0, $0x2  }
0x3c: {  	s17 =	simm.s32 $0x16800;
	s15 =	smul.u32 $0x60, s10;
	s0 =	sadd.s32 $0x200, s0  }
0x3d: {  	[tilespmem:s17], [sflag:$0x3] =	stream.indirect.gather [hbm4b:s3+s21], $0x40, s0, s21, $0xb8;
	[tilespmem:$0x1B030] =	vst v63  }
0x3e: {  	s22 =	sshra.s32 s15, $0x2;
	s15 =	sor.u32 $0x2, s20  }
0x3f: {  	s18 =	simm.s32 $0x16D00;
	s17 =	sshllo.u32 s13, $0x2;
	s23 =	smul.u32 $0x60, s15  }
0x40: {  	s19 =	simm.s32 $0x17200;
	s0 =	sadd.s32 $0x200, s22;
	s25 =	smul.u32 $0x60, s17  }
0x41: {  	[tilespmem:s18], [sflag:$0x3] =	stream.indirect.gather [hbm4b:s3+s21], $0x40, s0, s21, $0xb8;
	[tilespmem:$0x1B030] =	vst v63  }
0x42: {  	s31 =	simm.s32 $0x17700;
	s28 =	smul.u32 $0x380, s13;
	s24 =	sshra.s32 s23, $0x2  }
0x43: {  	s10 =	smul.u32 $0xE0, s10;
	s26 =	sshra.s32 s25, $0x2;
	s0 =	sadd.s32 $0x200, s24  }
0x44: {  	[tilespmem:s19], [sflag:$0x3] =	stream.indirect.gather [hbm4b:s3+s21], $0x40, s0, s21, $0xb8;
	[tilespmem:$0x1B030] =	vst v63  }
0x45: {  	s22 =	sshra.s32 s10, $0x2;
	s18 =	sshra.s32 s28, $0x2;
	s0 =	sadd.s32 $0x200, s26  }
0x46: {  	[tilespmem:s31], [sflag:$0x3] =	stream.indirect.gather [hbm4b:s3+s21], $0x40, s0, s21, $0xb8;
	[tilespmem:$0x1B030] =	vst v63  }
0x47: {  	s23 =	smul.u32 $0xE0, s15;
	s19 =	simm.s32 $0x17C00;
	s0 =	sadd.s32 $0x3200, s18  }
0x48: {  	[tilespmem:s19], [sflag:$0x3] =	stream.indirect.gather [hbm4b:s3+s30], $0x40, s0, s30, $0xb8;
	[tilespmem:$0x1B030] =	vst v63  }
0x49: {  	s25 =	smul.u32 $0xE0, s17;
	s24 =	sshra.s32 s23, $0x2;
	s0 =	sadd.s32 $0x3200, s22  }
0x4a: {  	[tilespmem:s1], [sflag:$0x3] =	stream.indirect.gather [hbm4b:s3+s30], $0x40, s0, s30, $0xb8;
	[tilespmem:$0x1B030] =	vst v63  }
0x4b: {  	s26 =	sshra.s32 s25, $0x2;
	s0 =	sadd.s32 $0x3200, s24  }
0x4c: {  	[tilespmem:s14], [sflag:$0x3] =	stream.indirect.gather [hbm4b:s3+s30], $0x40, s0, s30, $0xb8;
	[tilespmem:$0x1B030] =	vst v63  }
0x4d: {  	s0 =	sadd.s32 $0x3200, s26  }
0x4e: {  	[tilespmem:s16], [sflag:$0x3] =	stream.indirect.gather [hbm4b:s3+s30], $0x40, s0, s30, $0xb8;
	[tilespmem:$0x1B030] =	vst v63  }
0x4f: {  	_ =	swait.ge [sflag:s11], $0x4600  }
0x50: {  	p0 =	seq.s32 s9, $0x0;
	s29 =	simm.s32 $0x0;
	[sflag:s11] =	ssyncset.done $0x0  }
0x51: {  	s28 =	sshll.u32 s9, $0x9;
	s0 =	simm.s32 @!p0 $0x4;
	[sflag:s11] =	ssyncadd.s32 $0xFFFFBA00  }
0x52: {  	s10 =	sshll.u32 s9, $0x1;
	s15 =	sand.u32 $0x3FFFFE00, s28;
	_ =	swait.ge @!p0 [sflag:s0], $0x118  }
0x53: {  	s31 =	sadd.s32 $0xA200, s15;
	s22 =	simm.s32 $0x0;
	[sflag:s0] =	ssyncset.done @!p0 $0x0  }
0x54: {  	v0 =	vmov s31;
	s24 =	simm.s32 $0x122A0;
	s26 =	simm.s32 $0x13730;
	[sflag:s0] =	ssyncadd.s32 @!p0 $0xFFFFFEE8  }
.LBB2_3:
0x55: {  	v5 =	vld [tilespmem:s24+$0x60]  }
0x56: {  	v6 =	vld [tilespmem:s24+$0x70]  }
0x57: {  	v7 =	vld [tilespmem:s24+$0xFFFFFF60]  }
0x58: {  	v8 =	vld [tilespmem:s24+$0x80]  }
0x59: {  	v9 =	vld [tilespmem:s24+$0xFFFFFF70]  }
0x5a: {  	s0 =	sshll.u32 s29, $0x6;
	v10 =	vld [tilespmem:s24+$0x90]  }
0x5b: {  	v11 =	vld [tilespmem:s24+$0xFFFFFFA0];
	s0 =	sand.u32 $0x3FFFFFC0, s0  }
0x5c: {  	v3 =	vld.idx.msk [tilespmem:v0+s0+$0x0 ss:$0x1], $0xffff  }
0x5d: {  	v4 =	vld.idx.msk [tilespmem:v0+s0+$0x10 ss:$0x1], $0xffff  }
0x5e: {  	v12 =	vld [tilespmem:s24+$0xFFFFFFB0]  }
0x5f: {  	v2 =	vld.idx.msk [tilespmem:v0+s0+$0x20 ss:$0x1], $0xffff  }
0x60: {  	v13 =	vld [tilespmem:s24+$0xFFFFFFE0]  }
0x61: {  	v1 =	vld.idx.msk [tilespmem:v0+s0+$0x30 ss:$0x1], $0xffff  }
0x62: {  	v14 =	vld [tilespmem:s24+$0xFFFFFFF0];
	v5 =	vmul.f32 v5, v3;
	v6 =	vmul.f32 v6, v4  }
0x63: {  	v15 =	vld [tilespmem:s24+$0x20]  }
0x64: {  	v16 =	vld [tilespmem:s24+$0x30];
	v5 =	vadd.f32 v6, v5;
	v6 =	vmul.f32 v8, v2  }
0x65: {  	v17 =	vld [tilespmem:s24+$0xFFFFFF80]  }
0x66: {  	v18 =	vld [tilespmem:s24+$0xFFFFFFC0];
	v5 =	vadd.f32 v6, v5;
	v6 =	vmul.f32 v10, v1  }
0x67: {  	v19 =	vld [tilespmem:s24+$0x40]  }
0x68: {  	v20 =	vld [tilespmem:s24+$0xFFFFFFD0];
	v5 =	vadd.f32 v6, v5  }
0x69: {  	v21 =	vld [tilespmem:s24+$0x50]  }
0x6a: {  	s15 =	sadd.s32 $0x140, s24;
	v11 =	vmul.f32 v11, v3;
	v12 =	vmul.f32 v12, v4;
	v10 =	vld [tilespmem:s24+$0xFFFFFF90];
	(xrf2) =	vadd.scan.msk.f32 $0xffff, v5  }
0x6b: {  	v22 =	vld [tilespmem:s15+$0x60];
	v7 =	vmul.f32 v7, v3;
	v9 =	vmul.f32 v9, v4  }
0x6c: {  	v13 =	vmul.f32 v13, v3;
	v14 =	vmul.f32 v14, v4;
	v8 =	vld [tilespmem:s24+$0x0];
	v11 =	vadd.f32 v12, v11  }
0x6d: {  	v12 =	vmul.f32 v18, v2;
	v18 =	vld [tilespmem:s15+$0xFFFFFF70];
	v5 =	vadd.f32 v9, v7;
	v7 =	vmul.f32 v17, v2  }
0x6e: {  	s31 =	sadd.s32 $0xFFFFFFFB, s22;
	v15 =	vmul.f32 v15, v3;
	v13 =	vadd.f32 v14, v13;
	v6 =	vld [tilespmem:s24+$0x10]  }
0x6f: {  	s19 =	sadd.s32 $0x9, s31;
	v14 =	vmul.f32 v16, v4;
	v9 =	vld [tilespmem:s15+$0x70];
	v5 =	vadd.f32 v7, v5;
	v7 =	vmul.f32 v10, v1  }
0x70: {  	v16 =	vmov s19;
	v11 =	vadd.f32 v12, v11;
	v12 =	vmul.f32 v20, v1;
	v17 =	vld [tilespmem:s15+$0xFFFFFF60]  }
0x71: {  	v8 =	vmul.f32 v8, v2;
	v10 =	vld [tilespmem:s15+$0x80];
	v5 =	vadd.f32 v7, v5  }
0x72: {  	v14 =	vadd.f32 v14, v15;
	v15 =	vmul.f32 v19, v2;
	v19 =	vld [tilespmem:s15+$0xFFFFFFB0];
	v11 =	vadd.f32 v12, v11  }
0x73: {  	v22 =	vmul.f32 v22, v3;
	v8 =	vadd.f32 v8, v13;
	v7 =	vld [tilespmem:s15+$0x90];
	(xrf2) =	vadd.scan.msk.f32 $0xffff, v5  }
0x74: {  	v13 =	vld [tilespmem:s15+$0xFFFFFFE0];
	v9 =	vmul.f32 v9, v4;
	(xrf2) =	vadd.scan.msk.f32 $0xffff, v11;
	v11 =	vadd.f32 v15, v14;
	v14 =	vmul.f32 v6, v1;
	v6, _, _ =	vpop (xrf2)  }
0x75: {  	v15 =	vld [tilespmem:s15+$0xFFFFFFF0];
	[tilespmem:v16+s12+$0x0] =	vst.idx.msk vm0, v6;
	v16 =	vmul.f32 v21, v1  }
0x76: {  	v12 =	vld [tilespmem:s15+$0xFFFFFFA0];
	v17 =	vmul.f32 v17, v3;
	v9 =	vadd.f32 v9, v22;
	v10 =	vmul.f32 v10, v2  }
0x77: {  	v8 =	vadd.f32 v14, v8;
	v63 =	vadd.f32 v16, v11;
	v11 =	vmul.f32 v18, v4  }
0x78: {  	v24 =	vld [tilespmem:s15+$0x20];
	v9 =	vadd.f32 v10, v9;
	v16 =	vmul.f32 v7, v1  }
0x79: {  	v14 =	vld [tilespmem:s15+$0x30];
	(xrf2) =	vadd.scan.msk.f32 $0xffff, v8;
	v17 =	vadd.f32 v11, v17  }
0x7a: {  	s23 =	sadd.s32 $0x5, s31;
	v62 =	vld [tilespmem:s15+$0xFFFFFF80];
	v11 =	vmul.f32 v13, v3;
	v13 =	vmul.f32 v15, v4;
	v15 =	vadd.f32 v16, v9  }
0x7b: {  	s17 =	sadd.s32 $0x6, s31;
	v61 =	vmov s23;
	v10 =	vmul.f32 v12, v3;
	v12 =	vmul.f32 v19, v4;
	v18 =	vld [tilespmem:s15+$0xFFFFFFC0]  }
0x7c: {  	v23 =	vmov s17;
	v19 =	vld [tilespmem:s15+$0x0];
	(xrf2) =	vadd.scan.msk.f32 $0xffff, v15  }
0x7d: {  	s25 =	sadd.s32 $0x7, s31;
	v7 =	vld [tilespmem:s15+$0x40]  }
0x7e: {  	v24 =	vmul.f32 v24, v3;
	v5 =	vmov s25;
	v14 =	vmul.f32 v14, v4;
	v9 =	vld [tilespmem:s15+$0xFFFFFF90]  }
0x7f: {  	v8 =	vadd.f32 v12, v10;
	v21 =	vmul.f32 v62, v2;
	v12, _, _ =	vpop (xrf2);
	v10 =	vadd.f32 v13, v11;
	v11 =	vld [tilespmem:s15+$0xFFFFFFD0];
	(xrf2) =	vadd.scan.msk.f32 $0xffff, v63  }
0x80: {  	s28 =	sadd.s32 $0x8, s31;
	s0 =	simm.s32 $0x5;
	s17 =	sadd.s32 $0x0, s22;
	[tilespmem:v61+s12+$0x0] =	vst.idx.msk vm0, v12;
	v12 =	vld [tilespmem:s15+$0x10];
	v13 =	vadd.f32 v14, v24;
	v16 =	vmul.f32 v18, v2;
	v18, _, _ =	vpop (xrf2)  }
0x81: {  	s18 =	sadd.s32 $0x5, s17;
	s19 =	sadd.s32 $0x9, s17;
	v6 =	vmov s28;
	v15 =	vadd.f32 v21, v17;
	v17 =	vmul.f32 v19, v2;
	v14 =	vld [tilespmem:s15+$0x50];
	s15 =	sadd.s32 $0x140, s15;
	[tilespmem:v23+s12+$0x0] =	vst.idx.msk vm0, v18  }
.LBB2_4:
0x82: {  	v18 =	vld [tilespmem:s15+$0x60];
	s23 =	sadd.s32 $0x6, s17;
	v8 =	vadd.f32 v16, v8;
	s25 =	sadd.s32 $0x7, s17;
	s28 =	sadd.s32 $0x8, s17;
	v7 =	vmul.f32 v7, v2;
	v16 =	vmov s19  }
0x83: {  	v20 =	vmov s18;
	s17 =	smov.u32 s0;
	s0 =	sadd.s32 $0x5, s0;
	v19 =	vld [tilespmem:s15+$0x70];
	v9 =	vmul.f32 v9, v1;
	v10 =	vadd.f32 v17, v10;
	v17, _, _ =	vpop (xrf2)  }
0x84: {  	p1 =	slt.u32 s0, $0xF;
	v22 =	vmov s23;
	v21 =	vld [tilespmem:s15+$0xFFFFFF60];
	v11 =	vmul.f32 v11, v1;
	v7 =	vadd.f32 v7, v13;
	[tilespmem:v5+s12+$0x0] =	vst.idx.msk vm0, v17  }
0x85: {  	v5 =	vmov s25;
	v13 =	vld [tilespmem:s15+$0x80];
	v9 =	vadd.f32 v9, v15;
	v12 =	vmul.f32 v12, v1  }
0x86: {  	v15 =	vld [tilespmem:s15+$0xFFFFFF70];
	v8 =	vadd.f32 v11, v8;
	v11 =	vmul.f32 v14, v1;
	v14 =	vmov s28;
	v17, _, _ =	vpop (xrf2)  }
0x87: {  	v23 =	vld [tilespmem:s15+$0x90];
	v10 =	vadd.f32 v12, v10;
	[tilespmem:v16+s12+$0x0] =	vst.idx.msk vm0, v17;
	(xrf2) =	vadd.scan.msk.f32 $0xffff, v9  }
0x88: {  	v12 =	vmul.f32 v18, v3;
	v9 =	vld [tilespmem:s15+$0xFFFFFFA0];
	v16 =	vmul.f32 v19, v4;
	v17 =	vadd.f32 v11, v7  }
0x89: {  	v7 =	vmul.f32 v21, v3;
	v11 =	vld [tilespmem:s15+$0xFFFFFFB0];
	v18, _, _ =	vpop (xrf2)  }
0x8a: {  	v19 =	vld [tilespmem:s15+$0xFFFFFFE0];
	v12 =	vadd.f32 v16, v12;
	v13 =	vmul.f32 v13, v2;
	(xrf2) =	vadd.scan.msk.f32 $0xffff, v8;
	[tilespmem:v6+s12+$0x0] =	vst.idx.msk vm0, v18  }
0x8b: {  	v6 =	vmov v14;
	v8 =	vmul.f32 v15, v4;
	v15 =	vld [tilespmem:s15+$0xFFFFFFF0]  }
0x8c: {  	v14 =	vld [tilespmem:s15+$0x20];
	v12 =	vadd.f32 v13, v12;
	v13 =	vmul.f32 v23, v1  }
0x8d: {  	v18 =	vadd.f32 v8, v7;
	v7 =	vmul.f32 v9, v3;
	v16 =	vld [tilespmem:s15+$0x30];
	(xrf2) =	vadd.scan.msk.f32 $0xffff, v10  }
0x8e: {  	v21 =	vld [tilespmem:s15+$0xFFFFFF80];
	v8 =	vmul.f32 v11, v4;
	v9 =	vadd.f32 v13, v12  }
0x8f: {  	v12 =	vld [tilespmem:s15+$0xFFFFFFC0];
	v10 =	vmul.f32 v19, v3  }
0x90: {  	v8 =	vadd.f32 v8, v7;
	v11 =	vmul.f32 v15, v4;
	v19 =	vld [tilespmem:s15+$0x0];
	(xrf2) =	vadd.scan.msk.f32 $0xffff, v9  }
.Ltmp0:
0x91: {  	v13 =	vmul.f32 v14, v3;
	v7 =	vld [tilespmem:s15+$0x40];
	v14, _, _ =	vpop (xrf2);
	(pc) =	sbr.rel @p1 .LBB2_4-.Ltmp0, $4  }
0x92: {  	v9 =	vld [tilespmem:s15+$0xFFFFFF90];
	v10 =	vadd.f32 v11, v10;
	v15 =	vmul.f32 v16, v4;
	[tilespmem:v20+s12+$0x0] =	vst.idx.msk vm0, v14  }
0x93: {  	v14 =	vmul.f32 v21, v2;
	v11 =	vld [tilespmem:s15+$0xFFFFFFD0];
	(xrf2) =	vadd.scan.msk.f32 $0xffff, v17  }
0x94: {  	s17 =	sadd.s32 s17, s22;
	v16 =	vmul.f32 v12, v2;
	v12 =	vld [tilespmem:s15+$0x10];
	v13 =	vadd.f32 v15, v13;
	v20, _, _ =	vpop (xrf2)  }
0x95: {  	s18 =	sadd.s32 $0x5, s17;
	s19 =	sadd.s32 $0x9, s17;
	v15 =	vadd.f32 v14, v18;
	v17 =	vmul.f32 v19, v2;
	v14 =	vld [tilespmem:s15+$0x50];
	s15 =	sadd.s32 $0x140, s15;
	[tilespmem:v22+s12+$0x0] =	vst.idx.msk vm0, v20  }
0x96: {  	_ = 	snop  }
0x97: {  	v9 =	vmul.f32 v9, v1  }
0x98: {  	v8 =	vadd.f32 v16, v8;
	v7 =	vmul.f32 v7, v2;
	v11 =	vmul.f32 v11, v1  }
0x99: {  	v10 =	vadd.f32 v17, v10;
	v9 =	vadd.f32 v9, v15;
	v12 =	vmul.f32 v12, v1  }
0x9a: {  	v7 =	vadd.f32 v7, v13;
	v8 =	vadd.f32 v11, v8;
	v11 =	vmul.f32 v14, v1  }
0x9b: {  	v10 =	vadd.f32 v12, v10;
	(xrf2) =	vadd.scan.msk.f32 $0xffff, v9  }
0x9c: {  	v7 =	vadd.f32 v11, v7;
	(xrf2) =	vadd.scan.msk.f32 $0xffff, v8  }
0x9d: {  	(xrf2) =	vadd.scan.msk.f32 $0xffff, v10  }
0x9e: {  	(xrf2) =	vadd.scan.msk.f32 $0xffff, v7;
	_ =	sdelay $0x1  }
0x9f: {  	v7 =	vmov s19  }
0xa0: {  	s0 =	sadd.s32 $0x6, s17;
	v8 =	vmov s18;
	v9, _, _ =	vpop (xrf2)  }
0xa1: {  	s15 =	sadd.s32 $0x7, s17;
	v10 =	vmov s0;
	v11, _, _ =	vpop (xrf2)  }
0xa2: {  	s18 =	sadd.s32 $0x8, s17;
	[tilespmem:v5+s12+$0x0] =	vst.idx.msk vm0, v9;
	v5 =	vmov s15;
	v9, _, _ =	vpop (xrf2)  }
0xa3: {  	v12 =	vmov s18;
	[tilespmem:v6+s12+$0x0] =	vst.idx.msk vm0, v9  }
0xa4: {  	[tilespmem:v7+s12+$0x0] =	vst.idx.msk vm0, v11;
	v6, _, _ =	vpop (xrf2)  }
0xa5: {  	[tilespmem:v8+s12+$0x0] =	vst.idx.msk vm0, v6;
	v6, _, _ =	vpop (xrf2)  }
0xa6: {  	[tilespmem:v10+s12+$0x0] =	vst.idx.msk vm0, v6;
	v6, _, _ =	vpop (xrf2)  }
0xa7: {  	[tilespmem:v5+s12+$0x0] =	vst.idx.msk vm0, v6;
	v5, _, _ =	vpop (xrf2)  }
0xa8: {  	[tilespmem:v12+s12+$0x0] =	vst.idx.msk vm0, v5  }
0xa9: {  	v5 =	vld [tilespmem:s26+$0xFFFFFFD0]  }
0xaa: {  	v6 =	vld [tilespmem:s26+$0xFFFFFFE0]  }
0xab: {  	v7 =	vld [tilespmem:s26+$0xFFFFFED0]  }
0xac: {  	v8 =	vld [tilespmem:s26+$0xFFFFFFF0]  }
0xad: {  	v9 =	vld [tilespmem:s26+$0xFFFFFEE0]  }
0xae: {  	v10 =	vld [tilespmem:s26+$0x0]  }
0xaf: {  	v11 =	vld [tilespmem:s26+$0xFFFFFF10]  }
0xb0: {  	v12 =	vld [tilespmem:s26+$0xFFFFFF20]  }
0xb1: {  	v13 =	vld [tilespmem:s26+$0xFFFFFF50];
	v5 =	vmul.f32 v5, v3;
	v6 =	vmul.f32 v6, v4  }
0xb2: {  	v14 =	vld [tilespmem:s26+$0xFFFFFF60]  }
0xb3: {  	v15 =	vld [tilespmem:s26+$0xFFFFFF90];
	v5 =	vadd.f32 v6, v5;
	v6 =	vmul.f32 v8, v2  }
0xb4: {  	v16 =	vld [tilespmem:s26+$0xFFFFFFA0]  }
0xb5: {  	v17 =	vld [tilespmem:s26+$0xFFFFFEF0];
	v5 =	vadd.f32 v6, v5;
	v6 =	vmul.f32 v10, v1  }
0xb6: {  	v18 =	vld [tilespmem:s26+$0xFFFFFF30]  }
0xb7: {  	v19 =	vld [tilespmem:s26+$0xFFFFFFB0];
	v5 =	vadd.f32 v6, v5  }
0xb8: {  	v20 =	vld [tilespmem:s26+$0xFFFFFF40]  }
0xb9: {  	v7 =	vmul.f32 v7, v3;
	v9 =	vmul.f32 v9, v4;
	v10 =	vld [tilespmem:s26+$0xFFFFFF00];
	(xrf2) =	vadd.scan.msk.f32 $0xffff, v5  }
0xba: {  	v21 =	vld [tilespmem:s26+$0xFFFFFFC0];
	v11 =	vmul.f32 v11, v3;
	v12 =	vmul.f32 v12, v4  }
0xbb: {  	s15 =	sadd.s32 $0x140, s26;
	v13 =	vmul.f32 v13, v3;
	v14 =	vmul.f32 v14, v4;
	v8 =	vld [tilespmem:s26+$0xFFFFFF70]  }
0xbc: {  	v15 =	vmul.f32 v15, v3;
	v7 =	vadd.f32 v9, v7;
	v9 =	vmul.f32 v17, v2;
	v17 =	vld [tilespmem:s15+$0xFFFFFFE0]  }
0xbd: {  	v11 =	vadd.f32 v12, v11;
	v12 =	vmul.f32 v18, v2;
	v18 =	vld [tilespmem:s15+$0xFFFFFED0];
	v13 =	vadd.f32 v14, v13  }
0xbe: {  	s19 =	sadd.s32 $0x1D, s31;
	v14 =	vmul.f32 v16, v4;
	v7 =	vadd.f32 v9, v7;
	v5 =	vld [tilespmem:s15+$0xFFFFFFD0];
	v9 =	vmul.f32 v10, v1  }
0xbf: {  	v16 =	vmov s19;
	v11 =	vadd.f32 v12, v11;
	v12 =	vmul.f32 v20, v1;
	v6 =	vld [tilespmem:s26+$0xFFFFFF80]  }
0xc0: {  	v14 =	vadd.f32 v14, v15;
	v10 =	vld [tilespmem:s15+$0xFFFFFFF0];
	v7 =	vadd.f32 v9, v7  }
0xc1: {  	v59 =	vld [tilespmem:s15+$0xFFFFFEE0];
	v15 =	vmul.f32 v19, v2;
	v11 =	vadd.f32 v12, v11;
	v8 =	vmul.f32 v8, v2  }
0xc2: {  	v17 =	vmul.f32 v17, v4;
	v9 =	vld [tilespmem:s15+$0x0];
	(xrf2) =	vadd.scan.msk.f32 $0xffff, v7  }
0xc3: {  	v8 =	vadd.f32 v8, v13;
	v13 =	vld [tilespmem:s15+$0xFFFFFF50];
	v24 =	vmul.f32 v5, v3;
	(xrf2) =	vadd.scan.msk.f32 $0xffff, v11;
	v11 =	vadd.f32 v15, v14;
	v23, _, _ =	vpop (xrf2)  }
0xc4: {  	v14 =	vmul.f32 v6, v1;
	v15 =	vld [tilespmem:s15+$0xFFFFFF60];
	[tilespmem:v16+s12+$0x0] =	vst.idx.msk vm0, v23;
	v16 =	vmul.f32 v21, v1  }
0xc5: {  	v12 =	vld [tilespmem:s15+$0xFFFFFF10];
	v18 =	vmul.f32 v18, v3;
	v10 =	vmul.f32 v10, v2;
	v17 =	vadd.f32 v17, v24  }
0xc6: {  	v25 =	vld [tilespmem:s15+$0xFFFFFF90];
	v8 =	vadd.f32 v14, v8;
	v61 =	vadd.f32 v16, v11;
	v11 =	vmul.f32 v59, v4  }
0xc7: {  	v7 =	vld [tilespmem:s15+$0xFFFFFF20];
	v9 =	vmul.f32 v9, v1;
	v10 =	vadd.f32 v10, v17  }
0xc8: {  	v14 =	vld [tilespmem:s15+$0xFFFFFFA0];
	(xrf2) =	vadd.scan.msk.f32 $0xffff, v8;
	v18 =	vadd.f32 v11, v18  }
0xc9: {  	s23 =	sadd.s32 $0x19, s31;
	v60 =	vld [tilespmem:s15+$0xFFFFFEF0];
	v11 =	vmul.f32 v13, v3;
	v13 =	vmul.f32 v15, v4;
	v15 =	vadd.f32 v9, v10  }
0xca: {  	s25 =	sadd.s32 $0x1A, s31;
	v19 =	vmov s23;
	v12 =	vmul.f32 v12, v3;
	v16 =	vld [tilespmem:s15+$0xFFFFFF30]  }
0xcb: {  	v22 =	vmov s25;
	v62 =	vld [tilespmem:s15+$0xFFFFFF70];
	(xrf2) =	vadd.scan.msk.f32 $0xffff, v15  }
0xcc: {  	s28 =	sadd.s32 $0x1B, s31;
	v17 =	vmul.f32 v7, v4;
	v7 =	vld [tilespmem:s15+$0xFFFFFFB0]  }
0xcd: {  	v63 =	vmul.f32 v25, v3;
	v6 =	vmov s28;
	v14 =	vmul.f32 v14, v4;
	v9 =	vld [tilespmem:s15+$0xFFFFFF00]  }
0xce: {  	v8 =	vadd.f32 v17, v12;
	v17 =	vmul.f32 v60, v2;
	v12, _, _ =	vpop (xrf2);
	v10 =	vadd.f32 v13, v11;
	v11 =	vld [tilespmem:s15+$0xFFFFFF40];
	(xrf2) =	vadd.scan.msk.f32 $0xffff, v61  }
0xcf: {  	s17 =	sadd.s32 $0x0, s22;
	s0 =	simm.s32 $0x5;
	s31 =	sadd.s32 $0x1C, s31;
	[tilespmem:v19+s12+$0x0] =	vst.idx.msk vm0, v12;
	v12 =	vld [tilespmem:s15+$0xFFFFFF80];
	v19, _, _ =	vpop (xrf2);
	v13 =	vadd.f32 v14, v63;
	v16 =	vmul.f32 v16, v2  }
0xd0: {  	s18 =	sadd.s32 $0x19, s17;
	s19 =	sadd.s32 $0x1D, s17;
	v5 =	vmov s31;
	v15 =	vadd.f32 v17, v18;
	v17 =	vmul.f32 v62, v2;
	v14 =	vld [tilespmem:s15+$0xFFFFFFC0];
	s15 =	sadd.s32 $0x140, s15;
	[tilespmem:v22+s12+$0x0] =	vst.idx.msk vm0, v19  }
.LBB2_6:
0xd1: {  	v18 =	vld [tilespmem:s15+$0xFFFFFFD0];
	s23 =	sadd.s32 $0x1A, s17;
	v8 =	vadd.f32 v16, v8;
	s25 =	sadd.s32 $0x1B, s17;
	s28 =	sadd.s32 $0x1C, s17;
	v7 =	vmul.f32 v7, v2;
	v16 =	vmov s19  }
0xd2: {  	v20 =	vmov s18;
	s17 =	smov.u32 s0;
	s0 =	sadd.s32 $0x5, s0;
	v19 =	vld [tilespmem:s15+$0xFFFFFFE0];
	v9 =	vmul.f32 v9, v1;
	v10 =	vadd.f32 v17, v10;
	v17, _, _ =	vpop (xrf2)  }
0xd3: {  	p1 =	slt.u32 s0, $0x2D;
	v22 =	vmov s23;
	v21 =	vld [tilespmem:s15+$0xFFFFFED0];
	v11 =	vmul.f32 v11, v1;
	v7 =	vadd.f32 v7, v13;
	[tilespmem:v6+s12+$0x0] =	vst.idx.msk vm0, v17  }
0xd4: {  	v6 =	vmov s25;
	v13 =	vld [tilespmem:s15+$0xFFFFFFF0];
	v9 =	vadd.f32 v9, v15;
	v12 =	vmul.f32 v12, v1  }
0xd5: {  	v15 =	vld [tilespmem:s15+$0xFFFFFEE0];
	v8 =	vadd.f32 v11, v8;
	v11 =	vmul.f32 v14, v1;
	v14 =	vmov s28;
	v17, _, _ =	vpop (xrf2)  }
0xd6: {  	v23 =	vld [tilespmem:s15+$0x0];
	v10 =	vadd.f32 v12, v10;
	[tilespmem:v16+s12+$0x0] =	vst.idx.msk vm0, v17;
	(xrf2) =	vadd.scan.msk.f32 $0xffff, v9  }
0xd7: {  	v12 =	vmul.f32 v18, v3;
	v9 =	vld [tilespmem:s15+$0xFFFFFF10];
	v16 =	vmul.f32 v19, v4;
	v17 =	vadd.f32 v11, v7  }
0xd8: {  	v7 =	vmul.f32 v21, v3;
	v11 =	vld [tilespmem:s15+$0xFFFFFF20];
	v18, _, _ =	vpop (xrf2)  }
0xd9: {  	v19 =	vld [tilespmem:s15+$0xFFFFFF50];
	v12 =	vadd.f32 v16, v12;
	v13 =	vmul.f32 v13, v2;
	(xrf2) =	vadd.scan.msk.f32 $0xffff, v8;
	[tilespmem:v5+s12+$0x0] =	vst.idx.msk vm0, v18  }
0xda: {  	v5 =	vmov v14;
	v8 =	vmul.f32 v15, v4;
	v15 =	vld [tilespmem:s15+$0xFFFFFF60]  }
0xdb: {  	v14 =	vld [tilespmem:s15+$0xFFFFFF90];
	v12 =	vadd.f32 v13, v12;
	v13 =	vmul.f32 v23, v1  }
0xdc: {  	v18 =	vadd.f32 v8, v7;
	v7 =	vmul.f32 v9, v3;
	v16 =	vld [tilespmem:s15+$0xFFFFFFA0];
	(xrf2) =	vadd.scan.msk.f32 $0xffff, v10  }
0xdd: {  	v21 =	vld [tilespmem:s15+$0xFFFFFEF0];
	v8 =	vmul.f32 v11, v4;
	v9 =	vadd.f32 v13, v12  }
0xde: {  	v12 =	vld [tilespmem:s15+$0xFFFFFF30];
	v10 =	vmul.f32 v19, v3  }
0xdf: {  	v8 =	vadd.f32 v8, v7;
	v11 =	vmul.f32 v15, v4;
	v19 =	vld [tilespmem:s15+$0xFFFFFF70];
	(xrf2) =	vadd.scan.msk.f32 $0xffff, v9  }
.Ltmp1:
0xe0: {  	v13 =	vmul.f32 v14, v3;
	v7 =	vld [tilespmem:s15+$0xFFFFFFB0];
	v14, _, _ =	vpop (xrf2);
	(pc) =	sbr.rel @p1 .LBB2_6-.Ltmp1, $4  }
0xe1: {  	v9 =	vld [tilespmem:s15+$0xFFFFFF00];
	v10 =	vadd.f32 v11, v10;
	v15 =	vmul.f32 v16, v4;
	[tilespmem:v20+s12+$0x0] =	vst.idx.msk vm0, v14  }
0xe2: {  	v14 =	vmul.f32 v21, v2;
	v11 =	vld [tilespmem:s15+$0xFFFFFF40];
	(xrf2) =	vadd.scan.msk.f32 $0xffff, v17  }
0xe3: {  	s17 =	sadd.s32 s17, s22;
	v16 =	vmul.f32 v12, v2;
	v12 =	vld [tilespmem:s15+$0xFFFFFF80];
	v13 =	vadd.f32 v15, v13;
	v20, _, _ =	vpop (xrf2)  }
0xe4: {  	s18 =	sadd.s32 $0x19, s17;
	s19 =	sadd.s32 $0x1D, s17;
	v15 =	vadd.f32 v14, v18;
	v17 =	vmul.f32 v19, v2;
	v14 =	vld [tilespmem:s15+$0xFFFFFFC0];
	s15 =	sadd.s32 $0x140, s15;
	[tilespmem:v22+s12+$0x0] =	vst.idx.msk vm0, v20  }
0xe5: {  	_ = 	snop  }
0xe6: {  	v3 =	vmul.f32 v9, v1  }
0xe7: {  	v4 =	vadd.f32 v16, v8;
	v2 =	vmul.f32 v7, v2;
	v56 =	vmul.f32 v11, v1  }
0xe8: {  	v57 =	vadd.f32 v17, v10;
	v3 =	vadd.f32 v3, v15;
	v58 =	vmul.f32 v12, v1  }
0xe9: {  	v2 =	vadd.f32 v2, v13;
	v4 =	vadd.f32 v56, v4;
	v1 =	vmul.f32 v14, v1  }
0xea: {  	v59 =	vadd.f32 v58, v57;
	(xrf2) =	vadd.scan.msk.f32 $0xffff, v3  }
0xeb: {  	v1 =	vadd.f32 v1, v2;
	(xrf2) =	vadd.scan.msk.f32 $0xffff, v4  }
0xec: {  	(xrf2) =	vadd.scan.msk.f32 $0xffff, v59  }
0xed: {  	(xrf2) =	vadd.scan.msk.f32 $0xffff, v1;
	_ =	sdelay $0x1  }
0xee: {  	v1 =	vmov s19  }
0xef: {  	s0 =	sadd.s32 $0x1A, s17;
	v2 =	vmov s18;
	v3, _, _ =	vpop (xrf2)  }
0xf0: {  	s15 =	sadd.s32 $0x1B, s17;
	v60 =	vmov s0;
	v61, _, _ =	vpop (xrf2)  }
0xf1: {  	s31 =	sadd.s32 $0x1C, s17;
	s29 =	sadd.s32 $0x1, s29;
	[tilespmem:v6+s12+$0x0] =	vst.idx.msk vm0, v3;
	v3 =	vmov s15;
	v62, _, _ =	vpop (xrf2)  }
0xf2: {  	v63 =	vmov s31;
	p1 =	sne.s32 s29, $0x4;
	[tilespmem:v5+s12+$0x0] =	vst.idx.msk vm0, v62  }
.Ltmp2:
0xf3: {  	[tilespmem:v1+s12+$0x0] =	vst.idx.msk vm0, v61;
	v1, _, _ =	vpop (xrf2);
	(pc) =	sbr.rel @p1 .LBB2_3-.Ltmp2, $4  }
0xf4: {  	[tilespmem:v2+s12+$0x0] =	vst.idx.msk vm0, v1;
	v1, _, _ =	vpop (xrf2)  }
0xf5: {  	[tilespmem:v60+s12+$0x0] =	vst.idx.msk vm0, v1;
	v1, _, _ =	vpop (xrf2)  }
0xf6: {  	[tilespmem:v3+s12+$0x0] =	vst.idx.msk vm0, v1;
	v1, _, _ =	vpop (xrf2)  }
0xf7: {  	s22 =	sadd.s32 $0x46, s22;
	s24 =	sadd.s32 $0x500, s24;
	s26 =	sadd.s32 $0xC80, s26;
	[tilespmem:v63+s12+$0x0] =	vst.idx.msk vm0, v1  }
0xf8: {  	p1 =	sne.s32 s9, $0x3F  }
.Ltmp3:
0xf9: {  	s0 =	sadd.s32 s8, s10;
	(pc) =	sbr.rel @p1 .LBB2_10-.Ltmp3, $3  }
0xfa: {  	s0 =	smul.u32 $0x23, s0;
	_ =	sdelay $0x1  }
0xfb: {  	s0 =	sadd.s32 s4, s0  }
0xfc: {  	[hbm4b:s0+s2] =	stream.linear.scatter [tilespmem:s12], [sflag:$0x4], $0x118, $0x38;
	[tilespmem:$0x1B030] =	vst v63  }
.Ltmp4:
0xfd: {  	(pc) =	sbr.rel .LBB2_11-.Ltmp4, $4  }
0xfe: {  	_ = 	snop  }
0xff: {  	_ =	swait.ge [sflag:s5], $0x4600  }
0x100: {  	[sflag:s5] =	ssyncset.done $0x0  }
0x101: {  	[sflag:s5] =	ssyncadd.s32 $0xFFFFBA00  }
.LBB2_10:
0x102: {  	s0 =	sshll.u32 s9, $0x3  }
0x103: {  	s0 =	sadd.s32 $0x8, s0  }
0x104: {  	s10 =	smul.u32 $0x60, s0  }
0x105: {  	s15 =	smul.u32 $0x300, s9  }
0x106: {  	s10 =	sshra.s32 s10, $0x2  }
0x107: {  	s17 =	simm.s32 $0x12200;
	s26 =	sadd.s32 $0x360, s15;
	s10 =	sadd.s32 $0x200, s10  }
0x108: {  	[tilespmem:s17], [sflag:$0x2] =	stream.indirect.gather [hbm4b:s3+s21], $0x40, s10, s21, $0xb8;
	[tilespmem:$0x1B030] =	vst v63  }
0x109: {  	s10 =	sshra.s32 s26, $0x2  }
0x10a: {  	s28 =	simm.s32 $0x12700;
	s29 =	sadd.s32 $0x3C0, s15;
	s10 =	sadd.s32 $0x200, s10  }
0x10b: {  	[tilespmem:s28], [sflag:$0x2] =	stream.indirect.gather [hbm4b:s3+s21], $0x40, s10, s21, $0xb8;
	[tilespmem:$0x1B030] =	vst v63  }
0x10c: {  	s31 =	simm.s32 $0x12C00;
	s10 =	sshra.s32 s29, $0x2  }
0x10d: {  	s18 =	sadd.s32 $0x420, s15;
	s0 =	smul.u32 $0xE0, s0;
	s10 =	sadd.s32 $0x200, s10  }
0x10e: {  	[tilespmem:s31], [sflag:$0x2] =	stream.indirect.gather [hbm4b:s3+s21], $0x40, s10, s21, $0xb8;
	[tilespmem:$0x1B030] =	vst v63  }
0x10f: {  	s19 =	simm.s32 $0x13100;
	s10 =	sshra.s32 s18, $0x2  }
0x110: {  	s22 =	smul.u32 $0x700, s9;
	s0 =	sshra.s32 s0, $0x2;
	s10 =	sadd.s32 $0x200, s10  }
0x111: {  	[tilespmem:s19], [sflag:$0x2] =	stream.indirect.gather [hbm4b:s3+s21], $0x40, s10, s21, $0xb8;
	[tilespmem:$0x1B030] =	vst v63  }
0x112: {  	s23 =	simm.s32 $0x13600;
	s24 =	sadd.s32 $0x7E0, s22;
	s0 =	sadd.s32 $0x3200, s0  }
0x113: {  	[tilespmem:s23], [sflag:$0x2] =	stream.indirect.gather [hbm4b:s3+s30], $0x40, s0, s30, $0xb8;
	[tilespmem:$0x1B030] =	vst v63  }
0x114: {  	s0 =	sshra.s32 s24, $0x2  }
0x115: {  	s25 =	simm.s32 $0x14280;
	s26 =	sadd.s32 $0x8C0, s22;
	s0 =	sadd.s32 $0x3200, s0  }
0x116: {  	[tilespmem:s25], [sflag:$0x2] =	stream.indirect.gather [hbm4b:s3+s30], $0x40, s0, s30, $0xb8;
	[tilespmem:$0x1B030] =	vst v63  }
0x117: {  	s0 =	sshra.s32 s26, $0x2  }
0x118: {  	s28 =	simm.s32 $0x14F00;
	s29 =	sadd.s32 $0x9A0, s22;
	s0 =	sadd.s32 $0x3200, s0  }
0x119: {  	[tilespmem:s28], [sflag:$0x2] =	stream.indirect.gather [hbm4b:s3+s30], $0x40, s0, s30, $0xb8;
	[tilespmem:$0x1B030] =	vst v63  }
0x11a: {  	s0 =	sshra.s32 s29, $0x2  }
.Ltmp5:
0x11b: {  	s31 =	simm.s32 $0x15B80;
	s0 =	sadd.s32 $0x3200, s0;
	(pc) =	sbr.rel @p0 .LBB2_12-.Ltmp5, $4  }
0x11c: {  	[tilespmem:s31], [sflag:$0x2] =	stream.indirect.gather [hbm4b:s3+s30], $0x40, s0, s30, $0xb8;
	[tilespmem:$0x1B030] =	vst v63  }
0x11d: {  	_ =	swait.ge [sflag:s5], $0x4600  }
0x11e: {  	[sflag:s5] =	ssyncset.done $0x0  }
0x11f: {  	[sflag:s5] =	ssyncadd.s32 $0xFFFFBA00  }
.LBB2_11:
0x120: {  	_ =	swait.ge [sflag:s6], $0x118  }
0x121: {  	[sflag:s6] =	ssyncset.done $0x0  }
0x122: {  	[sflag:s6] =	ssyncadd.s32 $0xFFFFFEE8  }
.LBB2_12:
0x123: {  	s10 =	simm.s32 $0x0  }
0x124: {  	s22 =	simm.s32 $0x168A0;
	s24 =	simm.s32 $0x17D30;
	s26 =	simm.s32 $0x0  }
.LBB2_13:
0x125: {  	v4 =	vld [tilespmem:s22+$0x60]  }
0x126: {  	v5 =	vld [tilespmem:s22+$0x70]  }
0x127: {  	v6 =	vld [tilespmem:s22+$0xFFFFFF60]  }
0x128: {  	v7 =	vld [tilespmem:s22+$0x80]  }
0x129: {  	s0 =	sadd.s32 s20, s26;
	v8 =	vld [tilespmem:s22+$0xFFFFFF70]  }
0x12a: {  	v9 =	vld [tilespmem:s22+$0x90];
	s0 =	sshll.u32 s0, $0x6  }
0x12b: {  	v10 =	vld [tilespmem:s22+$0xFFFFFFA0];
	s0 =	sand.u32 $0x3FFFFFC0, s0  }
0x12c: {  	v2 =	vld [tilespmem:s0+$0xA200]  }
0x12d: {  	v3 =	vld [tilespmem:s0+$0xA210]  }
0x12e: {  	v11 =	vld [tilespmem:s22+$0xFFFFFFB0]  }
0x12f: {  	v1 =	vld [tilespmem:s0+$0xA220]  }
0x130: {  	v12 =	vld [tilespmem:s22+$0xFFFFFFE0]  }
0x131: {  	v0 =	vld [tilespmem:s0+$0xA230]  }
0x132: {  	v13 =	vld [tilespmem:s22+$0xFFFFFFF0];
	v4 =	vmul.f32 v4, v2;
	v5 =	vmul.f32 v5, v3  }
0x133: {  	v14 =	vld [tilespmem:s22+$0x20]  }
0x134: {  	v15 =	vld [tilespmem:s22+$0x30];
	v4 =	vadd.f32 v5, v4;
	v5 =	vmul.f32 v7, v1  }
0x135: {  	v16 =	vld [tilespmem:s22+$0xFFFFFF80]  }
0x136: {  	v17 =	vld [tilespmem:s22+$0xFFFFFFC0];
	v4 =	vadd.f32 v5, v4;
	v5 =	vmul.f32 v9, v0  }
0x137: {  	v18 =	vld [tilespmem:s22+$0x40]  }
0x138: {  	v19 =	vld [tilespmem:s22+$0xFFFFFFD0];
	v4 =	vadd.f32 v5, v4  }
0x139: {  	v20 =	vld [tilespmem:s22+$0x50]  }
0x13a: {  	s15 =	sadd.s32 $0x140, s22;
	v10 =	vmul.f32 v10, v2;
	v11 =	vmul.f32 v11, v3;
	v9 =	vld [tilespmem:s22+$0xFFFFFF90];
	(xrf2) =	vadd.scan.msk.f32 $0xffff, v4  }
0x13b: {  	v21 =	vld [tilespmem:s15+$0x60];
	v6 =	vmul.f32 v6, v2;
	v8 =	vmul.f32 v8, v3  }
0x13c: {  	v12 =	vmul.f32 v12, v2;
	v13 =	vmul.f32 v13, v3;
	v7 =	vld [tilespmem:s22+$0x0];
	v10 =	vadd.f32 v11, v10  }
0x13d: {  	v11 =	vmul.f32 v17, v1;
	v17 =	vld [tilespmem:s15+$0xFFFFFF70];
	v4 =	vadd.f32 v8, v6;
	v6 =	vmul.f32 v16, v1  }
0x13e: {  	s29 =	sadd.s32 $0xFFFFFFFB, s10;
	v14 =	vmul.f32 v14, v2;
	v12 =	vadd.f32 v13, v12;
	v5 =	vld [tilespmem:s22+$0x10]  }
0x13f: {  	s23 =	sadd.s32 $0x9, s29;
	v13 =	vmul.f32 v15, v3;
	v8 =	vld [tilespmem:s15+$0x70];
	v4 =	vadd.f32 v6, v4;
	v6 =	vmul.f32 v9, v0  }
0x140: {  	v15 =	vmov s23;
	v10 =	vadd.f32 v11, v10;
	v11 =	vmul.f32 v19, v0;
	v16 =	vld [tilespmem:s15+$0xFFFFFF60]  }
0x141: {  	v7 =	vmul.f32 v7, v1;
	v9 =	vld [tilespmem:s15+$0x80];
	v4 =	vadd.f32 v6, v4  }
0x142: {  	v13 =	vadd.f32 v13, v14;
	v14 =	vmul.f32 v18, v1;
	v18 =	vld [tilespmem:s15+$0xFFFFFFB0];
	v10 =	vadd.f32 v11, v10  }
0x143: {  	v21 =	vmul.f32 v21, v2;
	v7 =	vadd.f32 v7, v12;
	v6 =	vld [tilespmem:s15+$0x90];
	(xrf2) =	vadd.scan.msk.f32 $0xffff, v4  }
0x144: {  	v12 =	vld [tilespmem:s15+$0xFFFFFFE0];
	v8 =	vmul.f32 v8, v3;
	(xrf2) =	vadd.scan.msk.f32 $0xffff, v10;
	v10 =	vadd.f32 v14, v13;
	v13 =	vmul.f32 v5, v0;
	v5, _, _ =	vpop (xrf2)  }
0x145: {  	v14 =	vld [tilespmem:s15+$0xFFFFFFF0];
	[tilespmem:v15+s7+$0x0] =	vst.idx.msk vm0, v5;
	v15 =	vmul.f32 v20, v0  }
0x146: {  	v11 =	vld [tilespmem:s15+$0xFFFFFFA0];
	v16 =	vmul.f32 v16, v2;
	v8 =	vadd.f32 v8, v21;
	v9 =	vmul.f32 v9, v1  }
0x147: {  	v7 =	vadd.f32 v13, v7;
	v63 =	vadd.f32 v15, v10;
	v10 =	vmul.f32 v17, v3  }
0x148: {  	v23 =	vld [tilespmem:s15+$0x20];
	v8 =	vadd.f32 v9, v8;
	v15 =	vmul.f32 v6, v0  }
0x149: {  	v13 =	vld [tilespmem:s15+$0x30];
	(xrf2) =	vadd.scan.msk.f32 $0xffff, v7;
	v16 =	vadd.f32 v10, v16  }
0x14a: {  	s25 =	sadd.s32 $0x5, s29;
	v62 =	vld [tilespmem:s15+$0xFFFFFF80];
	v10 =	vmul.f32 v12, v2;
	v12 =	vmul.f32 v14, v3;
	v14 =	vadd.f32 v15, v8  }
0x14b: {  	s17 =	sadd.s32 $0x6, s29;
	v19 =	vmov s25;
	v9 =	vmul.f32 v11, v2;
	v11 =	vmul.f32 v18, v3;
	v17 =	vld [tilespmem:s15+$0xFFFFFFC0]  }
0x14c: {  	v22 =	vmov s17;
	v18 =	vld [tilespmem:s15+$0x0];
	(xrf2) =	vadd.scan.msk.f32 $0xffff, v14  }
0x14d: {  	s28 =	sadd.s32 $0x7, s29;
	v6 =	vld [tilespmem:s15+$0x40]  }
0x14e: {  	v23 =	vmul.f32 v23, v2;
	v4 =	vmov s28;
	v13 =	vmul.f32 v13, v3;
	v8 =	vld [tilespmem:s15+$0xFFFFFF90]  }
0x14f: {  	v7 =	vadd.f32 v11, v9;
	v20 =	vmul.f32 v62, v1;
	v11, _, _ =	vpop (xrf2);
	v9 =	vadd.f32 v12, v10;
	v10 =	vld [tilespmem:s15+$0xFFFFFFD0];
	(xrf2) =	vadd.scan.msk.f32 $0xffff, v63  }
0x150: {  	s31 =	sadd.s32 $0x8, s29;
	s17 =	sadd.s32 $0x0, s10;
	s0 =	simm.s32 $0x5;
	[tilespmem:v19+s7+$0x0] =	vst.idx.msk vm0, v11;
	v11 =	vld [tilespmem:s15+$0x10];
	v12 =	vadd.f32 v13, v23;
	v15 =	vmul.f32 v17, v1;
	v17, _, _ =	vpop (xrf2)  }
0x151: {  	s18 =	sadd.s32 $0x5, s17;
	s19 =	sadd.s32 $0x9, s17;
	v5 =	vmov s31;
	v14 =	vadd.f32 v20, v16;
	v16 =	vmul.f32 v18, v1;
	v13 =	vld [tilespmem:s15+$0x50];
	s15 =	sadd.s32 $0x140, s15;
	[tilespmem:v22+s7+$0x0] =	vst.idx.msk vm0, v17  }
.LBB2_14:
0x152: {  	v17 =	vld [tilespmem:s15+$0x60];
	s23 =	sadd.s32 $0x6, s17;
	v7 =	vadd.f32 v15, v7;
	s25 =	sadd.s32 $0x7, s17;
	s28 =	sadd.s32 $0x8, s17;
	v6 =	vmul.f32 v6, v1;
	v15 =	vmov s19  }
0x153: {  	v19 =	vmov s18;
	s17 =	smov.u32 s0;
	s0 =	sadd.s32 $0x5, s0;
	v18 =	vld [tilespmem:s15+$0x70];
	v8 =	vmul.f32 v8, v0;
	v9 =	vadd.f32 v16, v9;
	v16, _, _ =	vpop (xrf2)  }
0x154: {  	p0 =	slt.u32 s0, $0xF;
	v21 =	vmov s23;
	v20 =	vld [tilespmem:s15+$0xFFFFFF60];
	v10 =	vmul.f32 v10, v0;
	v6 =	vadd.f32 v6, v12;
	[tilespmem:v4+s7+$0x0] =	vst.idx.msk vm0, v16  }
0x155: {  	v4 =	vmov s25;
	v12 =	vld [tilespmem:s15+$0x80];
	v8 =	vadd.f32 v8, v14;
	v11 =	vmul.f32 v11, v0  }
0x156: {  	v14 =	vld [tilespmem:s15+$0xFFFFFF70];
	v7 =	vadd.f32 v10, v7;
	v10 =	vmul.f32 v13, v0;
	v13 =	vmov s28;
	v16, _, _ =	vpop (xrf2)  }
0x157: {  	v22 =	vld [tilespmem:s15+$0x90];
	v9 =	vadd.f32 v11, v9;
	[tilespmem:v15+s7+$0x0] =	vst.idx.msk vm0, v16;
	(xrf2) =	vadd.scan.msk.f32 $0xffff, v8  }
0x158: {  	v11 =	vmul.f32 v17, v2;
	v8 =	vld [tilespmem:s15+$0xFFFFFFA0];
	v15 =	vmul.f32 v18, v3;
	v16 =	vadd.f32 v10, v6  }
0x159: {  	v6 =	vmul.f32 v20, v2;
	v10 =	vld [tilespmem:s15+$0xFFFFFFB0];
	v17, _, _ =	vpop (xrf2)  }
0x15a: {  	v18 =	vld [tilespmem:s15+$0xFFFFFFE0];
	v11 =	vadd.f32 v15, v11;
	v12 =	vmul.f32 v12, v1;
	(xrf2) =	vadd.scan.msk.f32 $0xffff, v7;
	[tilespmem:v5+s7+$0x0] =	vst.idx.msk vm0, v17  }
0x15b: {  	v5 =	vmov v13;
	v7 =	vmul.f32 v14, v3;
	v14 =	vld [tilespmem:s15+$0xFFFFFFF0]  }
0x15c: {  	v13 =	vld [tilespmem:s15+$0x20];
	v11 =	vadd.f32 v12, v11;
	v12 =	vmul.f32 v22, v0  }
0x15d: {  	v17 =	vadd.f32 v7, v6;
	v6 =	vmul.f32 v8, v2;
	v15 =	vld [tilespmem:s15+$0x30];
	(xrf2) =	vadd.scan.msk.f32 $0xffff, v9  }
0x15e: {  	v20 =	vld [tilespmem:s15+$0xFFFFFF80];
	v7 =	vmul.f32 v10, v3;
	v8 =	vadd.f32 v12, v11  }
0x15f: {  	v11 =	vld [tilespmem:s15+$0xFFFFFFC0];
	v9 =	vmul.f32 v18, v2  }
0x160: {  	v7 =	vadd.f32 v7, v6;
	v10 =	vmul.f32 v14, v3;
	v18 =	vld [tilespmem:s15+$0x0];
	(xrf2) =	vadd.scan.msk.f32 $0xffff, v8  }
.Ltmp6:
0x161: {  	v12 =	vmul.f32 v13, v2;
	v6 =	vld [tilespmem:s15+$0x40];
	v13, _, _ =	vpop (xrf2);
	(pc) =	sbr.rel @p0 .LBB2_14-.Ltmp6, $4  }
0x162: {  	v8 =	vld [tilespmem:s15+$0xFFFFFF90];
	v9 =	vadd.f32 v10, v9;
	v14 =	vmul.f32 v15, v3;
	[tilespmem:v19+s7+$0x0] =	vst.idx.msk vm0, v13  }
0x163: {  	v13 =	vmul.f32 v20, v1;
	v10 =	vld [tilespmem:s15+$0xFFFFFFD0];
	(xrf2) =	vadd.scan.msk.f32 $0xffff, v16  }
0x164: {  	s17 =	sadd.s32 s17, s10;
	v15 =	vmul.f32 v11, v1;
	v11 =	vld [tilespmem:s15+$0x10];
	v12 =	vadd.f32 v14, v12;
	v19, _, _ =	vpop (xrf2)  }
0x165: {  	s18 =	sadd.s32 $0x5, s17;
	s19 =	sadd.s32 $0x9, s17;
	v14 =	vadd.f32 v13, v17;
	v16 =	vmul.f32 v18, v1;
	v13 =	vld [tilespmem:s15+$0x50];
	s15 =	sadd.s32 $0x140, s15;
	[tilespmem:v21+s7+$0x0] =	vst.idx.msk vm0, v19  }
0x166: {  	_ = 	snop  }
0x167: {  	v8 =	vmul.f32 v8, v0  }
0x168: {  	v7 =	vadd.f32 v15, v7;
	v6 =	vmul.f32 v6, v1;
	v10 =	vmul.f32 v10, v0  }
0x169: {  	v9 =	vadd.f32 v16, v9;
	v8 =	vadd.f32 v8, v14;
	v11 =	vmul.f32 v11, v0  }
0x16a: {  	v6 =	vadd.f32 v6, v12;
	v7 =	vadd.f32 v10, v7;
	v10 =	vmul.f32 v13, v0  }
0x16b: {  	v9 =	vadd.f32 v11, v9;
	(xrf2) =	vadd.scan.msk.f32 $0xffff, v8  }
0x16c: {  	v6 =	vadd.f32 v10, v6;
	(xrf2) =	vadd.scan.msk.f32 $0xffff, v7  }
0x16d: {  	(xrf2) =	vadd.scan.msk.f32 $0xffff, v9  }
0x16e: {  	(xrf2) =	vadd.scan.msk.f32 $0xffff, v6;
	_ =	sdelay $0x1  }
0x16f: {  	v6 =	vmov s19  }
0x170: {  	s0 =	sadd.s32 $0x6, s17;
	v7 =	vmov s18;
	v8, _, _ =	vpop (xrf2)  }
0x171: {  	s15 =	sadd.s32 $0x7, s17;
	v9 =	vmov s0;
	v10, _, _ =	vpop (xrf2)  }
0x172: {  	s18 =	sadd.s32 $0x8, s17;
	[tilespmem:v4+s7+$0x0] =	vst.idx.msk vm0, v8;
	v4 =	vmov s15;
	v8, _, _ =	vpop (xrf2)  }
0x173: {  	v11 =	vmov s18;
	[tilespmem:v5+s7+$0x0] =	vst.idx.msk vm0, v8  }
0x174: {  	[tilespmem:v6+s7+$0x0] =	vst.idx.msk vm0, v10;
	v5, _, _ =	vpop (xrf2)  }
0x175: {  	[tilespmem:v7+s7+$0x0] =	vst.idx.msk vm0, v5;
	v5, _, _ =	vpop (xrf2)  }
0x176: {  	[tilespmem:v9+s7+$0x0] =	vst.idx.msk vm0, v5;
	v5, _, _ =	vpop (xrf2)  }
0x177: {  	[tilespmem:v4+s7+$0x0] =	vst.idx.msk vm0, v5;
	v4, _, _ =	vpop (xrf2)  }
0x178: {  	[tilespmem:v11+s7+$0x0] =	vst.idx.msk vm0, v4  }
0x179: {  	v4 =	vld [tilespmem:s24+$0xFFFFFFD0]  }
0x17a: {  	v5 =	vld [tilespmem:s24+$0xFFFFFFE0]  }
0x17b: {  	v6 =	vld [tilespmem:s24+$0xFFFFFED0]  }
0x17c: {  	v7 =	vld [tilespmem:s24+$0xFFFFFFF0]  }
0x17d: {  	v8 =	vld [tilespmem:s24+$0xFFFFFEE0]  }
0x17e: {  	v9 =	vld [tilespmem:s24+$0x0]  }
0x17f: {  	v10 =	vld [tilespmem:s24+$0xFFFFFF10]  }
0x180: {  	v11 =	vld [tilespmem:s24+$0xFFFFFF20]  }
0x181: {  	v12 =	vld [tilespmem:s24+$0xFFFFFF50];
	v4 =	vmul.f32 v4, v2;
	v5 =	vmul.f32 v5, v3  }
0x182: {  	v13 =	vld [tilespmem:s24+$0xFFFFFF60]  }
0x183: {  	v14 =	vld [tilespmem:s24+$0xFFFFFF90];
	v4 =	vadd.f32 v5, v4;
	v5 =	vmul.f32 v7, v1  }
0x184: {  	v15 =	vld [tilespmem:s24+$0xFFFFFFA0]  }
0x185: {  	v16 =	vld [tilespmem:s24+$0xFFFFFEF0];
	v4 =	vadd.f32 v5, v4;
	v5 =	vmul.f32 v9, v0  }
0x186: {  	v17 =	vld [tilespmem:s24+$0xFFFFFF30]  }
0x187: {  	v18 =	vld [tilespmem:s24+$0xFFFFFFB0];
	v4 =	vadd.f32 v5, v4  }
0x188: {  	v19 =	vld [tilespmem:s24+$0xFFFFFF40]  }
0x189: {  	v6 =	vmul.f32 v6, v2;
	v8 =	vmul.f32 v8, v3;
	v9 =	vld [tilespmem:s24+$0xFFFFFF00];
	(xrf2) =	vadd.scan.msk.f32 $0xffff, v4  }
0x18a: {  	v20 =	vld [tilespmem:s24+$0xFFFFFFC0];
	v10 =	vmul.f32 v10, v2;
	v11 =	vmul.f32 v11, v3  }
0x18b: {  	s15 =	sadd.s32 $0x140, s24;
	v12 =	vmul.f32 v12, v2;
	v13 =	vmul.f32 v13, v3;
	v7 =	vld [tilespmem:s24+$0xFFFFFF70]  }
0x18c: {  	v14 =	vmul.f32 v14, v2;
	v6 =	vadd.f32 v8, v6;
	v8 =	vmul.f32 v16, v1;
	v16 =	vld [tilespmem:s15+$0xFFFFFFE0]  }
0x18d: {  	v10 =	vadd.f32 v11, v10;
	v11 =	vmul.f32 v17, v1;
	v17 =	vld [tilespmem:s15+$0xFFFFFED0];
	v12 =	vadd.f32 v13, v12  }
0x18e: {  	s19 =	sadd.s32 $0x1D, s29;
	v13 =	vmul.f32 v15, v3;
	v6 =	vadd.f32 v8, v6;
	v4 =	vld [tilespmem:s15+$0xFFFFFFD0];
	v8 =	vmul.f32 v9, v0  }
0x18f: {  	v15 =	vmov s19;
	v10 =	vadd.f32 v11, v10;
	v11 =	vmul.f32 v19, v0;
	v5 =	vld [tilespmem:s24+$0xFFFFFF80]  }
0x190: {  	v13 =	vadd.f32 v13, v14;
	v9 =	vld [tilespmem:s15+$0xFFFFFFF0];
	v6 =	vadd.f32 v8, v6  }
0x191: {  	v19 =	vld [tilespmem:s15+$0xFFFFFEE0];
	v14 =	vmul.f32 v18, v1;
	v10 =	vadd.f32 v11, v10;
	v7 =	vmul.f32 v7, v1  }
0x192: {  	v16 =	vmul.f32 v16, v3;
	v8 =	vld [tilespmem:s15+$0x0];
	(xrf2) =	vadd.scan.msk.f32 $0xffff, v6  }
0x193: {  	v7 =	vadd.f32 v7, v12;
	v12 =	vld [tilespmem:s15+$0xFFFFFF50];
	v23 =	vmul.f32 v4, v2;
	(xrf2) =	vadd.scan.msk.f32 $0xffff, v10;
	v10 =	vadd.f32 v14, v13;
	v22, _, _ =	vpop (xrf2)  }
0x194: {  	v13 =	vmul.f32 v5, v0;
	v14 =	vld [tilespmem:s15+$0xFFFFFF60];
	[tilespmem:v15+s7+$0x0] =	vst.idx.msk vm0, v22;
	v15 =	vmul.f32 v20, v0  }
0x195: {  	v11 =	vld [tilespmem:s15+$0xFFFFFF10];
	v17 =	vmul.f32 v17, v2;
	v9 =	vmul.f32 v9, v1;
	v16 =	vadd.f32 v16, v23  }
0x196: {  	v24 =	vld [tilespmem:s15+$0xFFFFFF90];
	v7 =	vadd.f32 v13, v7;
	v62 =	vadd.f32 v15, v10;
	v10 =	vmul.f32 v19, v3  }
0x197: {  	v6 =	vld [tilespmem:s15+$0xFFFFFF20];
	v8 =	vmul.f32 v8, v0;
	v9 =	vadd.f32 v9, v16  }
0x198: {  	v13 =	vld [tilespmem:s15+$0xFFFFFFA0];
	(xrf2) =	vadd.scan.msk.f32 $0xffff, v7;
	v17 =	vadd.f32 v10, v17  }
0x199: {  	s23 =	sadd.s32 $0x19, s29;
	v61 =	vld [tilespmem:s15+$0xFFFFFEF0];
	v10 =	vmul.f32 v12, v2;
	v12 =	vmul.f32 v14, v3;
	v14 =	vadd.f32 v8, v9  }
0x19a: {  	s25 =	sadd.s32 $0x1A, s29;
	v18 =	vmov s23;
	v11 =	vmul.f32 v11, v2;
	v15 =	vld [tilespmem:s15+$0xFFFFFF30]  }
0x19b: {  	v21 =	vmov s25;
	v19 =	vld [tilespmem:s15+$0xFFFFFF70];
	(xrf2) =	vadd.scan.msk.f32 $0xffff, v14  }
0x19c: {  	s28 =	sadd.s32 $0x1B, s29;
	v16 =	vmul.f32 v6, v3;
	v6 =	vld [tilespmem:s15+$0xFFFFFFB0]  }
0x19d: {  	v63 =	vmul.f32 v24, v2;
	v5 =	vmov s28;
	v13 =	vmul.f32 v13, v3;
	v8 =	vld [tilespmem:s15+$0xFFFFFF00]  }
0x19e: {  	v7 =	vadd.f32 v16, v11;
	v16 =	vmul.f32 v61, v1;
	v11, _, _ =	vpop (xrf2);
	v9 =	vadd.f32 v12, v10;
	v10 =	vld [tilespmem:s15+$0xFFFFFF40];
	(xrf2) =	vadd.scan.msk.f32 $0xffff, v62  }
0x19f: {  	s31 =	sadd.s32 $0x1C, s29;
	s17 =	sadd.s32 $0x0, s10;
	s0 =	simm.s32 $0x5;
	[tilespmem:v18+s7+$0x0] =	vst.idx.msk vm0, v11;
	v11 =	vld [tilespmem:s15+$0xFFFFFF80];
	v18, _, _ =	vpop (xrf2);
	v12 =	vadd.f32 v13, v63;
	v15 =	vmul.f32 v15, v1  }
0x1a0: {  	s18 =	sadd.s32 $0x19, s17;
	s19 =	sadd.s32 $0x1D, s17;
	v4 =	vmov s31;
	v14 =	vadd.f32 v16, v17;
	v13 =	vld [tilespmem:s15+$0xFFFFFFC0];
	s15 =	sadd.s32 $0x140, s15;
	[tilespmem:v21+s7+$0x0] =	vst.idx.msk vm0, v18;
	v16 =	vmul.f32 v19, v1  }
.LBB2_16:
0x1a1: {  	v17 =	vld [tilespmem:s15+$0xFFFFFFD0];
	s23 =	sadd.s32 $0x1A, s17;
	v7 =	vadd.f32 v15, v7;
	s25 =	sadd.s32 $0x1B, s17;
	s28 =	sadd.s32 $0x1C, s17;
	v6 =	vmul.f32 v6, v1;
	v15 =	vmov s19  }
0x1a2: {  	v19 =	vmov s18;
	s17 =	smov.u32 s0;
	s0 =	sadd.s32 $0x5, s0;
	v18 =	vld [tilespmem:s15+$0xFFFFFFE0];
	v8 =	vmul.f32 v8, v0;
	v9 =	vadd.f32 v16, v9;
	v16, _, _ =	vpop (xrf2)  }
0x1a3: {  	p0 =	slt.u32 s0, $0x2D;
	v21 =	vmov s23;
	v20 =	vld [tilespmem:s15+$0xFFFFFED0];
	v10 =	vmul.f32 v10, v0;
	v6 =	vadd.f32 v6, v12;
	[tilespmem:v5+s7+$0x0] =	vst.idx.msk vm0, v16  }
0x1a4: {  	v5 =	vmov s25;
	v12 =	vld [tilespmem:s15+$0xFFFFFFF0];
	v8 =	vadd.f32 v8, v14;
	v11 =	vmul.f32 v11, v0  }
0x1a5: {  	v14 =	vld [tilespmem:s15+$0xFFFFFEE0];
	v7 =	vadd.f32 v10, v7;
	v10 =	vmul.f32 v13, v0;
	v13 =	vmov s28;
	v16, _, _ =	vpop (xrf2)  }
0x1a6: {  	v22 =	vld [tilespmem:s15+$0x0];
	v9 =	vadd.f32 v11, v9;
	[tilespmem:v15+s7+$0x0] =	vst.idx.msk vm0, v16;
	(xrf2) =	vadd.scan.msk.f32 $0xffff, v8  }
0x1a7: {  	v11 =	vmul.f32 v17, v2;
	v8 =	vld [tilespmem:s15+$0xFFFFFF10];
	v15 =	vmul.f32 v18, v3;
	v16 =	vadd.f32 v10, v6  }
0x1a8: {  	v6 =	vmul.f32 v20, v2;
	v10 =	vld [tilespmem:s15+$0xFFFFFF20];
	v17, _, _ =	vpop (xrf2)  }
0x1a9: {  	v18 =	vld [tilespmem:s15+$0xFFFFFF50];
	v11 =	vadd.f32 v15, v11;
	v12 =	vmul.f32 v12, v1;
	(xrf2) =	vadd.scan.msk.f32 $0xffff, v7;
	[tilespmem:v4+s7+$0x0] =	vst.idx.msk vm0, v17  }
0x1aa: {  	v4 =	vmov v13;
	v7 =	vmul.f32 v14, v3;
	v14 =	vld [tilespmem:s15+$0xFFFFFF60]  }
0x1ab: {  	v13 =	vld [tilespmem:s15+$0xFFFFFF90];
	v11 =	vadd.f32 v12, v11;
	v12 =	vmul.f32 v22, v0  }
0x1ac: {  	v17 =	vadd.f32 v7, v6;
	v6 =	vmul.f32 v8, v2;
	v15 =	vld [tilespmem:s15+$0xFFFFFFA0];
	(xrf2) =	vadd.scan.msk.f32 $0xffff, v9  }
0x1ad: {  	v20 =	vld [tilespmem:s15+$0xFFFFFEF0];
	v7 =	vmul.f32 v10, v3;
	v8 =	vadd.f32 v12, v11  }
0x1ae: {  	v11 =	vld [tilespmem:s15+$0xFFFFFF30];
	v9 =	vmul.f32 v18, v2  }
0x1af: {  	v7 =	vadd.f32 v7, v6;
	v10 =	vmul.f32 v14, v3;
	v18 =	vld [tilespmem:s15+$0xFFFFFF70];
	(xrf2) =	vadd.scan.msk.f32 $0xffff, v8  }
.Ltmp7:
0x1b0: {  	v12 =	vmul.f32 v13, v2;
	v6 =	vld [tilespmem:s15+$0xFFFFFFB0];
	v13, _, _ =	vpop (xrf2);
	(pc) =	sbr.rel @p0 .LBB2_16-.Ltmp7, $4  }
0x1b1: {  	v8 =	vld [tilespmem:s15+$0xFFFFFF00];
	v9 =	vadd.f32 v10, v9;
	v14 =	vmul.f32 v15, v3;
	[tilespmem:v19+s7+$0x0] =	vst.idx.msk vm0, v13  }
0x1b2: {  	v13 =	vmul.f32 v20, v1;
	v10 =	vld [tilespmem:s15+$0xFFFFFF40];
	(xrf2) =	vadd.scan.msk.f32 $0xffff, v16  }
0x1b3: {  	s17 =	sadd.s32 s17, s10;
	v15 =	vmul.f32 v11, v1;
	v11 =	vld [tilespmem:s15+$0xFFFFFF80];
	v12 =	vadd.f32 v14, v12;
	v19, _, _ =	vpop (xrf2)  }
0x1b4: {  	s18 =	sadd.s32 $0x19, s17;
	s19 =	sadd.s32 $0x1D, s17;
	v14 =	vadd.f32 v13, v17;
	v16 =	vmul.f32 v18, v1;
	v13 =	vld [tilespmem:s15+$0xFFFFFFC0];
	s15 =	sadd.s32 $0x140, s15;
	[tilespmem:v21+s7+$0x0] =	vst.idx.msk vm0, v19  }
0x1b5: {  	_ = 	snop  }
0x1b6: {  	v2 =	vmul.f32 v8, v0  }
0x1b7: {  	v3 =	vadd.f32 v15, v7;
	v1 =	vmul.f32 v6, v1;
	v47 =	vmul.f32 v10, v0  }
0x1b8: {  	v48 =	vadd.f32 v16, v9;
	v2 =	vadd.f32 v2, v14;
	v49 =	vmul.f32 v11, v0  }
0x1b9: {  	v1 =	vadd.f32 v1, v12;
	v3 =	vadd.f32 v47, v3;
	v50 =	vmul.f32 v13, v0  }
0x1ba: {  	v51 =	vadd.f32 v49, v48;
	(xrf2) =	vadd.scan.msk.f32 $0xffff, v2  }
0x1bb: {  	v0 =	vadd.f32 v50, v1;
	(xrf2) =	vadd.scan.msk.f32 $0xffff, v3  }
0x1bc: {  	(xrf2) =	vadd.scan.msk.f32 $0xffff, v51  }
0x1bd: {  	(xrf2) =	vadd.scan.msk.f32 $0xffff, v0  }
0x1be: {  	v52 =	vmov s19;
	_ =	sdelay $0x1  }
0x1bf: {  	s0 =	sadd.s32 $0x1A, s17;
	v53 =	vmov s18  }
0x1c0: {  	s15 =	sadd.s32 $0x1B, s17;
	v54, _, _ =	vpop (xrf2);
	v55 =	vmov s0  }
0x1c1: {  	s31 =	sadd.s32 $0x1C, s17;
	s26 =	sadd.s32 $0x1, s26;
	v57 =	vmov s15;
	[tilespmem:v5+s7+$0x0] =	vst.idx.msk vm0, v54;
	v56, _, _ =	vpop (xrf2)  }
0x1c2: {  	v59 =	vmov s31;
	p0 =	sne.s32 s26, $0x4;
	[tilespmem:v52+s7+$0x0] =	vst.idx.msk vm0, v56;
	v58, _, _ =	vpop (xrf2)  }
.Ltmp8:
0x1c3: {  	[tilespmem:v4+s7+$0x0] =	vst.idx.msk vm0, v58;
	v60, _, _ =	vpop (xrf2);
	(pc) =	sbr.rel @p0 .LBB2_13-.Ltmp8, $4  }
0x1c4: {  	[tilespmem:v53+s7+$0x0] =	vst.idx.msk vm0, v60;
	v61, _, _ =	vpop (xrf2)  }
0x1c5: {  	[tilespmem:v55+s7+$0x0] =	vst.idx.msk vm0, v61;
	v62, _, _ =	vpop (xrf2)  }
0x1c6: {  	[tilespmem:v57+s7+$0x0] =	vst.idx.msk vm0, v62;
	v63, _, _ =	vpop (xrf2)  }
0x1c7: {  	s10 =	sadd.s32 $0x46, s10;
	s22 =	sadd.s32 $0x500, s22;
	s24 =	sadd.s32 $0xC80, s24;
	[tilespmem:v59+s7+$0x0] =	vst.idx.msk vm0, v63  }
0x1c8: {  	s9 =	sadd.s32 $0x1, s9  }
0x1c9: {  	p0 =	sne.s32 s9, $0x40  }
.Ltmp9:
0x1ca: {  	s0 =	sadd.s32 s8, s13;
	(pc) =	sbr.rel @p0 .LBB2_2-.Ltmp9, $3  }
0x1cb: {  	s0 =	smul.u32 $0x23, s0;
	_ =	sdelay $0x1  }
0x1cc: {  	s0 =	sadd.s32 s4, s0  }
0x1cd: {  	[hbm4b:s0+s2] =	stream.linear.scatter [tilespmem:s7], [sflag:$0x5], $0x118, $0x38;
	[tilespmem:$0x1B030] =	vst v63  }
0x1ce: {  	s0 =	simm.s32 $0x4  }
0x1cf: {  	_ =	swait.ge [sflag:s0], $0x118  }
0x1d0: {  	[sflag:s0] =	ssyncset.done $0x0  }
0x1d1: {  	[sflag:s0] =	ssyncadd.s32 $0xFFFFFEE8  }
0x1d2: {  	_ =	swait.ge [sflag:s6], $0x118  }
0x1d3: {  	s9 =	rddreg [dreg:$0x7]  }
0x1d4: {  	s31 =	rddreg [dreg:$0x6];
	s9 =	sadd.s32 $0x1, s9  }
0x1d5: {  	p0 =	sne.s32 s9, s31  }
.Ltmp10:
0x1d6: {  	_ = 	snop;
	(pc) =	sbr.rel @p0 .LBB2_1-.Ltmp10, $3  }
0x1d7: {  	_ =	sdelay $0x1  }
0x1d8: {  	[sflag:s6] =	ssyncset.done $0x0  }
0x1d9: {  	[sflag:s6] =	ssyncadd.s32 $0xFFFFFEE8  }
0x1da: {  	_ =	sfence.sel $0x180000  }
0x1db: {  	[bflag:$0x0] =	sbarrier.arrive $0xFFFF  }
0x1dc: {  	_ =	strace $0x90000047  }
0x1dd: {  	s0 =	stileid.u32;
	[bflag:$0x2] =	sbarrier.arrive $0xFFFF  }
0x1de: {  	p0 =	sne.s32 s0, $0x0;
	s0 =	rddreg [dreg:$0x2]  }
0x1df: {  	s0 =	sadd.s32 @!p0 $0x100000, s0  }
0x1e0: {  	[sflag:s0] =	ssyncadd.tile.s32 @!p0 $0x1;
	_ =	shalt  }
.Lfunc_end2:
_tile_overlayer_lowered:
.L_overlay_start_2:
0x1e1: {  	(tag) =	ssettag $0x2  }
0x1e2: {  	s0 =	rddreg [dreg:$0x0];
	s2 =	stileid.u32  }
0x1e3: {  	s1 =	rddreg [dreg:$0x1];
	p0 =	sne.s32 s2, $0x0  }
0x1e4: {  	s3 =	rddreg [dreg:$0x2];
	[bflag:$0x3] =	sbarrier.arrive $0xFFFF;
	s2 =	simm.s32 @!p0 $0x1C06  }
0x1e5: {  	[timem:s3], [sflag:s2] =	dma.local @!p0 [hbm:s0], s1  }
0x1e6: {  	s0 =	simm.s32 @!p0 $0x6  }
0x1e7: {  	_ =	swait.ge @!p0 [sflag:s0], s1  }
0x1e8: {  	s1 =	ssub.s32 @!p0 $0x0, s1;
	[sflag:s0] =	ssyncset.done @!p0 $0x0  }
0x1e9: {  	[sflag:s0] =	ssyncadd.s32 @!p0 s1  }
0x1ea: {  	[bflag:$0x3] =	sbarrier.arrive $0xFFFF  }
0x1eb: {  	_ =	shalt  }

</sc_bundles>
